<compile_context>
chip_gen: v7x
topology: tpu7x:2x2x1
jax: 0.10.2.dev20260603
libtpu: 0.0.44.dev20260713+nightly
codegen_flags: <defaults>
</compile_context>

<pallas_src>
import functools

import jax
import jax.numpy as jnp
from jax import lax
from jax.experimental import pallas as pl
from jax.experimental.pallas import tpu as pltpu
from jax.experimental.pallas import tpu_sc as plsc

VOCAB = 100000
EMBED_DIM = 128
BATCH = 4096
HIST = 50

L_PAD = 64
NC, NS = 1, 16
ACT = 16
L_PER_CORE = L_PAD // NC
GRP = L_PER_CORE // 16
R_PER_SUB = BATCH // ACT
UNROLL = 8

MV_BLK = 11264
MV_GRID = (VOCAB + MV_BLK - 1) // MV_BLK
P_ROWS = MV_GRID * (MV_BLK // 128)
P_FLAT = P_ROWS * 128
P_SC = P_FLAT


def _mv_body(w_ref, e_ref, o_ref):
    e = e_ref[...]
    w = w_ref[...][0]
    prod = e.reshape(MV_BLK // 128, 128, 128) * w
    o_ref[...] = jnp.sum(prod, axis=-1)


def _matvec(emb_table, W):
    return pl.pallas_call(
        _mv_body,
        grid=(MV_GRID,),
        in_specs=[
            pl.BlockSpec((1, EMBED_DIM), lambda i: (0, 0)),
            pl.BlockSpec((MV_BLK, EMBED_DIM), lambda i: (i, 0)),
        ],
        out_specs=pl.BlockSpec((MV_BLK // 128, 128), lambda i: (i, 0)),
        out_shape=jax.ShapeDtypeStruct((P_ROWS, 128), jnp.float32),
    )(W, emb_table)


def _sc_body(p_hbm, sent_hbm, b_hbm, out_hbm,
             p_v, s_v, acc_v, sh, tmp_v, res_v, b_v, sem_s, sem_p):
    c = lax.axis_index("c")
    s = lax.axis_index("s")

    zero = jnp.zeros((16,), jnp.float32)

    @pl.when(s < ACT)
    def _gather_phase():
        cp_s = pltpu.make_async_copy(sent_hbm.at[c, s], s_v, sem_s)
        cp_p = pltpu.make_async_copy(p_hbm.at[pl.ds(0, P_SC)], p_v, sem_p)
        cp_s.start()
        cp_p.start()
        cp_s.wait()
        cp_p.wait()

        def step(r, acc):
            base = r * L_PER_CORE
            out = []
            for g in range(GRP):
                idx = s_v[pl.ds(base + 16 * g, 16)]
                out.append(acc[g] + plsc.load_gather(p_v, [idx]))
            return tuple(out)

        accs = lax.fori_loop(0, R_PER_SUB, step, (zero,) * GRP,
                             unroll=UNROLL)
        for g in range(GRP):
            acc_v[pl.ds(16 * g, 16)] = accs[g]
        pltpu.sync_copy(acc_v, sh.at[pl.ds(s * L_PER_CORE, L_PER_CORE)])

    plsc.subcore_barrier()

    @pl.when(s == 0)
    def _finish():
        pltpu.sync_copy(sh, tmp_v)
        pltpu.sync_copy(b_hbm, b_v)
        tot = [zero] * GRP
        for i in range(ACT):
            for g in range(GRP):
                tot[g] = tot[g] + tmp_v[pl.ds(i * L_PER_CORE + 16 * g, 16)]
        bias = b_v[...]
        inv_b = jnp.float32(1.0 / BATCH)
        for g in range(GRP):
            sc = tot[g] * inv_b + bias
            res_v[pl.ds(16 * g, 16)] = 1.0 / (1.0 + jnp.exp(-sc))
        pltpu.sync_copy(res_v, out_hbm.at[c])


@functools.cache
def _get_sc_call():
    return functools.partial(
        pl.kernel,
        out_type=jax.ShapeDtypeStruct((NC, L_PER_CORE), jnp.float32),
        mesh=plsc.VectorSubcoreMesh(core_axis_name="c", subcore_axis_name="s",
                                    num_cores=NC, num_subcores=NS),
        compiler_params=pltpu.CompilerParams(
            needs_layout_passes=False,
            disable_bounds_checks=True,
            disable_semaphore_checks=True,
        ),
        scratch_types=[
            pltpu.VMEM((P_SC,), jnp.float32),
            pltpu.VMEM((R_PER_SUB * L_PER_CORE,), jnp.int32),
            pltpu.VMEM((L_PER_CORE,), jnp.float32),
            pltpu.VMEM_SHARED((ACT * L_PER_CORE,), jnp.float32),
            pltpu.VMEM((ACT * L_PER_CORE,), jnp.float32),
            pltpu.VMEM((L_PER_CORE,), jnp.float32),
            pltpu.VMEM((16,), jnp.float32),
            pltpu.SemaphoreType.DMA,
            pltpu.SemaphoreType.DMA,
        ],
    )(_sc_body)


def kernel(sentence, emb_table, W, b):
    p2 = _matvec(emb_table, W)
    p_flat = p2.reshape(P_FLAT)

    sent = sentence.astype(jnp.int32)
    sent = jnp.concatenate(
        [sent, jnp.zeros((BATCH, L_PAD - HIST), jnp.int32)], axis=1)
    sent_r = (sent.reshape(ACT, R_PER_SUB, NC, L_PER_CORE)
              .transpose(2, 0, 1, 3).reshape(NC, ACT, R_PER_SUB * L_PER_CORE))

    b16 = jnp.full((16,), b[0], jnp.float32)

    out = _get_sc_call()(p_flat, sent_r, b16)
    return out.reshape(L_PAD)[:HIST].reshape(HIST, 1)

# --- scband reference (transcript-rebuilt; emitter-appended) ---
"""Pipeline reference for scband-wac-26036091748839 (READ-ONLY COPY).

The authoritative reference and input builder live on the scoring server;
editing this copy changes nothing except your own understanding.
"""

import jax, jax.numpy as jnp
import numpy as np

VOCAB = 100000
EMBED_DIM = 128
BATCH = 4096
HIST = 50

def setup_inputs(seed: int = 0) -> dict:
    key = jax.random.key(seed)
    k1, k2, k3, k4 = jax.random.split(key, 4)
    sentence = jax.random.randint(k1, (BATCH, HIST), 0, VOCAB, dtype=jnp.int64 if jax.config.jax_enable_x64 else jnp.int32)
    emb_table = jax.random.normal(k2, (VOCAB, EMBED_DIM), dtype=jnp.float32)
    W = jax.random.normal(k3, (1, EMBED_DIM), dtype=jnp.float32) * (1.0 / np.sqrt(EMBED_DIM))
    b = jax.random.normal(k4, (1,), dtype=jnp.float32) * 0.01
    return {"sentence": sentence, "emb_table": emb_table, "W": W, "b": b}

def reference(sentence, emb_table, W, b):
    # nn.Embedding lookup (gather)
    embeds = jnp.take(emb_table, sentence, axis=0)  # [B, L, D]
    # mean over dim 0 (as in the torch module)
    embeds_ave = embeds.mean(axis=0)  # [L, D]
    # linear: [L, D] @ [D, 1] + [1]
    score = embeds_ave @ W.T + b  # [L, 1]
    prob = jax.nn.sigmoid(score)
    return prob

if __name__ == "__main__":
    import jax
    _d = setup_inputs()
    print(jax.jit(kernel)(*tuple(_d.values())))

</pallas_src>

<mosaic_0001>
#map = affine_map<(d0, d1) -> (0)>
#map1 = affine_map<(d0, d1) -> (0, 0, 0)>
#map2 = affine_map<(d0, d1) -> (0, 0)>
module attributes {stable_mosaic.version = 14 : i64} {
  func.func @_sc_body(%arg0: i32, %arg1: i32, %arg2: memref<101376xf32, #tpu.memory_space<hbm>>, %arg3: memref<1x16x16384xi32, #tpu.memory_space<hbm>>, %arg4: memref<16xf32, #tpu.memory_space<hbm>>, %arg5: memref<1x64xf32, #tpu.memory_space<hbm>>, %arg6: memref<101376xf32, #tpu.memory_space<vmem>>, %arg7: memref<16384xi32, #tpu.memory_space<vmem>>, %arg8: memref<64xf32, #tpu.memory_space<vmem>>, %arg9: memref<1024xf32, #tpu.memory_space<vmem_shared>>, %arg10: memref<1024xf32, #tpu.memory_space<vmem>>, %arg11: memref<64xf32, #tpu.memory_space<vmem>>, %arg12: memref<16xf32, #tpu.memory_space<vmem>>, %arg13: memref<!tpu.dma_semaphore, #tpu.memory_space<semaphore_mem>>, %arg14: memref<!tpu.dma_semaphore, #tpu.memory_space<semaphore_mem>>) attributes {dimension_semantics = [#tpu.dimension_semantics<core_parallel>, #tpu.dimension_semantics<subcore_parallel>], iteration_bounds = array<i64: 1, 16>, scalar_prefetch = 0 : i64, scratch_operands = 9 : i64, tpu.core_type = #tpu.core_type<sc_vector_subcore>, window_params = [{transform_indices = #map}, {transform_indices = #map1}, {transform_indices = #map}, {transform_indices = #map2}]} {
    %broadcast_in_dim3A = arith.constant 0.000000e+00 : f32
    %broadcast_in_dim3A_0 = vector.broadcast %broadcast_in_dim3A : f32 to vector<16xf32>
    %lt3A = arith.constant 16 : i32
    %lt3A_1 = arith.cmpi slt, %arg1, %lt3A : i32
    %convert_element_type3A = arith.extui %lt3A_1 : i1 to i32
    %cond3A = arith.constant 0 : i32
    %cond3A_2 = arith.cmpi ne, %convert_element_type3A, %cond3A : i32
    scf.if %cond3A_2 {
      %dma_start3A = arith.constant 0 : i32
      %dma_start3A_7 = tpu.memref_slice %arg3[%arg0, %arg1, %dma_start3A] : memref<1x16x16384xi32, #tpu.memory_space<hbm>> -> memref<1x1x16384xi32, #tpu.memory_space<hbm>>
      %dma_start3A_8 = tpu.memref_squeeze %dma_start3A_7 : memref<1x1x16384xi32, #tpu.memory_space<hbm>> -> memref<16384xi32, #tpu.memory_space<hbm>>
      %dma_start3A_9 = arith.constant 0 : i32
      %dma_start3A_10 = tpu.memref_slice %arg3[%arg0, %arg1, %dma_start3A_9] : memref<1x16x16384xi32, #tpu.memory_space<hbm>> -> memref<1x1x16384xi32, #tpu.memory_space<hbm>>
      %dma_start3A_11 = tpu.memref_squeeze %dma_start3A_10 : memref<1x1x16384xi32, #tpu.memory_space<hbm>> -> memref<16384xi32, #tpu.memory_space<hbm>>
      tpu.enqueue_dma source(%dma_start3A_11 : memref<16384xi32, #tpu.memory_space<hbm>>) target(%arg7 : memref<16384xi32, #tpu.memory_space<vmem>>) target_semaphore(%arg13 : memref<!tpu.dma_semaphore, #tpu.memory_space<semaphore_mem>>)
      %dma_start3A_12 = arith.constant 0 : i32
      %dma_start3A_13 = tpu.memref_slice %arg2[%dma_start3A_12] : memref<101376xf32, #tpu.memory_space<hbm>> -> memref<101376xf32, #tpu.memory_space<hbm>>
      %dma_start3A_14 = arith.constant 0 : i32
      %dma_start3A_15 = tpu.memref_slice %arg2[%dma_start3A_14] : memref<101376xf32, #tpu.memory_space<hbm>> -> memref<101376xf32, #tpu.memory_space<hbm>>
      tpu.enqueue_dma source(%dma_start3A_15 : memref<101376xf32, #tpu.memory_space<hbm>>) target(%arg6 : memref<101376xf32, #tpu.memory_space<vmem>>) target_semaphore(%arg14 : memref<!tpu.dma_semaphore, #tpu.memory_space<semaphore_mem>>)
      %dma_wait3A = arith.constant 0 : i32
      %dma_wait3A_16 = tpu.memref_slice %arg3[%arg0, %arg1, %dma_wait3A] : memref<1x16x16384xi32, #tpu.memory_space<hbm>> -> memref<1x1x16384xi32, #tpu.memory_space<hbm>>
      %dma_wait3A_17 = tpu.memref_squeeze %dma_wait3A_16 : memref<1x1x16384xi32, #tpu.memory_space<hbm>> -> memref<16384xi32, #tpu.memory_space<hbm>>
      %dma_wait3A_18 = arith.constant 0 : i32
      %dma_wait3A_19 = tpu.memref_slice %arg3[%arg0, %arg1, %dma_wait3A_18] : memref<1x16x16384xi32, #tpu.memory_space<hbm>> -> memref<1x1x16384xi32, #tpu.memory_space<hbm>>
      %dma_wait3A_20 = tpu.memref_squeeze %dma_wait3A_19 : memref<1x1x16384xi32, #tpu.memory_space<hbm>> -> memref<16384xi32, #tpu.memory_space<hbm>>
      tpu.wait_dma2 semaphore(%arg13 : memref<!tpu.dma_semaphore, #tpu.memory_space<semaphore_mem>>) src(%dma_wait3A_20 : memref<16384xi32, #tpu.memory_space<hbm>>) dst(%arg7 : memref<16384xi32, #tpu.memory_space<vmem>>)
      %dma_wait3A_21 = arith.constant 0 : i32
      %dma_wait3A_22 = tpu.memref_slice %arg2[%dma_wait3A_21] : memref<101376xf32, #tpu.memory_space<hbm>> -> memref<101376xf32, #tpu.memory_space<hbm>>
      %dma_wait3A_23 = arith.constant 0 : i32
      %dma_wait3A_24 = tpu.memref_slice %arg2[%dma_wait3A_23] : memref<101376xf32, #tpu.memory_space<hbm>> -> memref<101376xf32, #tpu.memory_space<hbm>>
      tpu.wait_dma2 semaphore(%arg14 : memref<!tpu.dma_semaphore, #tpu.memory_space<semaphore_mem>>) src(%dma_wait3A_24 : memref<101376xf32, #tpu.memory_space<hbm>>) dst(%arg6 : memref<101376xf32, #tpu.memory_space<vmem>>)
      %scan3A = arith.constant 0 : i32
      %scan3A_25 = arith.constant 256 : i32
      %scan3A_26 = arith.addi %scan3A, %scan3A_25 : i32
      %scan3A_27 = arith.constant 8 : i32
      %scan3A_28:4 = scf.for %scan3A_38 = %scan3A to %scan3A_26 step %scan3A_27 iter_args(%scan3A_39 = %broadcast_in_dim3A_0, %scan3A_40 = %broadcast_in_dim3A_0, %scan3A_41 = %broadcast_in_dim3A_0, %scan3A_42 = %broadcast_in_dim3A_0) -> (vector<16xf32>, vector<16xf32>, vector<16xf32>, vector<16xf32>)  : i32 {
        %mul3A_43 = arith.constant 64 : i32
        %mul3A_44 = arith.muli %scan3A_38, %mul3A_43 : i32
        %add3A = arith.constant 0 : i32
        %add3A_45 = arith.addi %mul3A_44, %add3A : i32
        %get3A = arith.index_cast %add3A_45 : i32 to index
        %get3A_46 = tpu.vector_load %arg7[%get3A] {strides = array<i32>} : memref<16384xi32, #tpu.memory_space<vmem>>, vector<16xi32>,
        %gather3A = tpu.vector_load_idx %arg6[%get3A_46] : memref<101376xf32, #tpu.memory_space<vmem>>[vector<16xi32>], vector<16xf32>,
        %add3A_47 = arith.addf %scan3A_39, %gather3A : vector<16xf32>
        %add3A_48 = arith.constant 16 : i32
        %add3A_49 = arith.addi %mul3A_44, %add3A_48 : i32
        %get3A_50 = arith.index_cast %add3A_49 : i32 to index
        %get3A_51 = tpu.vector_load %arg7[%get3A_50] {strides = array<i32>} : memref<16384xi32, #tpu.memory_space<vmem>>, vector<16xi32>,
        %gather3A_52 = tpu.vector_load_idx %arg6[%get3A_51] : memref<101376xf32, #tpu.memory_space<vmem>>[vector<16xi32>], vector<16xf32>,
        %add3A_53 = arith.addf %scan3A_40, %gather3A_52 : vector<16xf32>
        %add3A_54 = arith.constant 32 : i32
        %add3A_55 = arith.addi %mul3A_44, %add3A_54 : i32
        %get3A_56 = arith.index_cast %add3A_55 : i32 to index
        %get3A_57 = tpu.vector_load %arg7[%get3A_56] {strides = array<i32>} : memref<16384xi32, #tpu.memory_space<vmem>>, vector<16xi32>,
        %gather3A_58 = tpu.vector_load_idx %arg6[%get3A_57] : memref<101376xf32, #tpu.memory_space<vmem>>[vector<16xi32>], vector<16xf32>,
        %add3A_59 = arith.addf %scan3A_41, %gather3A_58 : vector<16xf32>
        %add3A_60 = arith.constant 48 : i32
        %add3A_61 = arith.addi %mul3A_44, %add3A_60 : i32
        %get3A_62 = arith.index_cast %add3A_61 : i32 to index
        %get3A_63 = tpu.vector_load %arg7[%get3A_62] {strides = array<i32>} : memref<16384xi32, #tpu.memory_space<vmem>>, vector<16xi32>,
        %gather3A_64 = tpu.vector_load_idx %arg6[%get3A_63] : memref<101376xf32, #tpu.memory_space<vmem>>[vector<16xi32>], vector<16xf32>,
        %add3A_65 = arith.addf %scan3A_42, %gather3A_64 : vector<16xf32>
        %scan3A_66 = arith.constant 1 : i32
        %scan3A_67 = arith.addi %scan3A_38, %scan3A_66 : i32
        %mul3A_68 = arith.constant 64 : i32
        %mul3A_69 = arith.muli %scan3A_67, %mul3A_68 : i32
        %add3A_70 = arith.constant 0 : i32
        %add3A_71 = arith.addi %mul3A_69, %add3A_70 : i32
        %get3A_72 = arith.index_cast %add3A_71 : i32 to index
        %get3A_73 = tpu.vector_load %arg7[%get3A_72] {strides = array<i32>} : memref<16384xi32, #tpu.memory_space<vmem>>, vector<16xi32>,
        %gather3A_74 = tpu.vector_load_idx %arg6[%get3A_73] : memref<101376xf32, #tpu.memory_space<vmem>>[vector<16xi32>], vector<16xf32>,
        %add3A_75 = arith.addf %add3A_47, %gather3A_74 : vector<16xf32>
        %add3A_76 = arith.constant 16 : i32
        %add3A_77 = arith.addi %mul3A_69, %add3A_76 : i32
        %get3A_78 = arith.index_cast %add3A_77 : i32 to index
        %get3A_79 = tpu.vector_load %arg7[%get3A_78] {strides = array<i32>} : memref<16384xi32, #tpu.memory_space<vmem>>, vector<16xi32>,
        %gather3A_80 = tpu.vector_load_idx %arg6[%get3A_79] : memref<101376xf32, #tpu.memory_space<vmem>>[vector<16xi32>], vector<16xf32>,
        %add3A_81 = arith.addf %add3A_53, %gather3A_80 : vector<16xf32>
        %add3A_82 = arith.constant 32 : i32
        %add3A_83 = arith.addi %mul3A_69, %add3A_82 : i32
        %get3A_84 = arith.index_cast %add3A_83 : i32 to index
        %get3A_85 = tpu.vector_load %arg7[%get3A_84] {strides = array<i32>} : memref<16384xi32, #tpu.memory_space<vmem>>, vector<16xi32>,
        %gather3A_86 = tpu.vector_load_idx %arg6[%get3A_85] : memref<101376xf32, #tpu.memory_space<vmem>>[vector<16xi32>], vector<16xf32>,
        %add3A_87 = arith.addf %add3A_59, %gather3A_86 : vector<16xf32>
        %add3A_88 = arith.constant 48 : i32
        %add3A_89 = arith.addi %mul3A_69, %add3A_88 : i32
        %get3A_90 = arith.index_cast %add3A_89 : i32 to index
        %get3A_91 = tpu.vector_load %arg7[%get3A_90] {strides = array<i32>} : memref<16384xi32, #tpu.memory_space<vmem>>, vector<16xi32>,
        %gather3A_92 = tpu.vector_load_idx %arg6[%get3A_91] : memref<101376xf32, #tpu.memory_space<vmem>>[vector<16xi32>], vector<16xf32>,
        %add3A_93 = arith.addf %add3A_65, %gather3A_92 : vector<16xf32>
        %scan3A_94 = arith.constant 2 : i32
        %scan3A_95 = arith.addi %scan3A_38, %scan3A_94 : i32
        %mul3A_96 = arith.constant 64 : i32
        %mul3A_97 = arith.muli %scan3A_95, %mul3A_96 : i32
        %add3A_98 = arith.constant 0 : i32
        %add3A_99 = arith.addi %mul3A_97, %add3A_98 : i32
        %get3A_100 = arith.index_cast %add3A_99 : i32 to index
        %get3A_101 = tpu.vector_load %arg7[%get3A_100] {strides = array<i32>} : memref<16384xi32, #tpu.memory_space<vmem>>, vector<16xi32>,
        %gather3A_102 = tpu.vector_load_idx %arg6[%get3A_101] : memref<101376xf32, #tpu.memory_space<vmem>>[vector<16xi32>], vector<16xf32>,
        %add3A_103 = arith.addf %add3A_75, %gather3A_102 : vector<16xf32>
        %add3A_104 = arith.constant 16 : i32
        %add3A_105 = arith.addi %mul3A_97, %add3A_104 : i32
        %get3A_106 = arith.index_cast %add3A_105 : i32 to index
        %get3A_107 = tpu.vector_load %arg7[%get3A_106] {strides = array<i32>} : memref<16384xi32, #tpu.memory_space<vmem>>, vector<16xi32>,
        %gather3A_108 = tpu.vector_load_idx %arg6[%get3A_107] : memref<101376xf32, #tpu.memory_space<vmem>>[vector<16xi32>], vector<16xf32>,
        %add3A_109 = arith.addf %add3A_81, %gather3A_108 : vector<16xf32>
        %add3A_110 = arith.constant 32 : i32
        %add3A_111 = arith.addi %mul3A_97, %add3A_110 : i32
        %get3A_112 = arith.index_cast %add3A_111 : i32 to index
        %get3A_113 = tpu.vector_load %arg7[%get3A_112] {strides = array<i32>} : memref<16384xi32, #tpu.memory_space<vmem>>, vector<16xi32>,
        %gather3A_114 = tpu.vector_load_idx %arg6[%get3A_113] : memref<101376xf32, #tpu.memory_space<vmem>>[vector<16xi32>], vector<16xf32>,
        %add3A_115 = arith.addf %add3A_87, %gather3A_114 : vector<16xf32>
        %add3A_116 = arith.constant 48 : i32
        %add3A_117 = arith.addi %mul3A_97, %add3A_116 : i32
        %get3A_118 = arith.index_cast %add3A_117 : i32 to index
        %get3A_119 = tpu.vector_load %arg7[%get3A_118] {strides = array<i32>} : memref<16384xi32, #tpu.memory_space<vmem>>, vector<16xi32>,
        %gather3A_120 = tpu.vector_load_idx %arg6[%get3A_119] : memref<101376xf32, #tpu.memory_space<vmem>>[vector<16xi32>], vector<16xf32>,
        %add3A_121 = arith.addf %add3A_93, %gather3A_120 : vector<16xf32>
        %scan3A_122 = arith.constant 3 : i32
        %scan3A_123 = arith.addi %scan3A_38, %scan3A_122 : i32
        %mul3A_124 = arith.constant 64 : i32
        %mul3A_125 = arith.muli %scan3A_123, %mul3A_124 : i32
        %add3A_126 = arith.constant 0 : i32
        %add3A_127 = arith.addi %mul3A_125, %add3A_126 : i32
        %get3A_128 = arith.index_cast %add3A_127 : i32 to index
        %get3A_129 = tpu.vector_load %arg7[%get3A_128] {strides = array<i32>} : memref<16384xi32, #tpu.memory_space<vmem>>, vector<16xi32>,
        %gather3A_130 = tpu.vector_load_idx %arg6[%get3A_129] : memref<101376xf32, #tpu.memory_space<vmem>>[vector<16xi32>], vector<16xf32>,
        %add3A_131 = arith.addf %add3A_103, %gather3A_130 : vector<16xf32>
        %add3A_132 = arith.constant 16 : i32
        %add3A_133 = arith.addi %mul3A_125, %add3A_132 : i32
        %get3A_134 = arith.index_cast %add3A_133 : i32 to index
        %get3A_135 = tpu.vector_load %arg7[%get3A_134] {strides = array<i32>} : memref<16384xi32, #tpu.memory_space<vmem>>, vector<16xi32>,
        %gather3A_136 = tpu.vector_load_idx %arg6[%get3A_135] : memref<101376xf32, #tpu.memory_space<vmem>>[vector<16xi32>], vector<16xf32>,
        %add3A_137 = arith.addf %add3A_109, %gather3A_136 : vector<16xf32>
        %add3A_138 = arith.constant 32 : i32
        %add3A_139 = arith.addi %mul3A_125, %add3A_138 : i32
        %get3A_140 = arith.index_cast %add3A_139 : i32 to index
        %get3A_141 = tpu.vector_load %arg7[%get3A_140] {strides = array<i32>} : memref<16384xi32, #tpu.memory_space<vmem>>, vector<16xi32>,
        %gather3A_142 = tpu.vector_load_idx %arg6[%get3A_141] : memref<101376xf32, #tpu.memory_space<vmem>>[vector<16xi32>], vector<16xf32>,
        %add3A_143 = arith.addf %add3A_115, %gather3A_142 : vector<16xf32>
        %add3A_144 = arith.constant 48 : i32
        %add3A_145 = arith.addi %mul3A_125, %add3A_144 : i32
        %get3A_146 = arith.index_cast %add3A_145 : i32 to index
        %get3A_147 = tpu.vector_load %arg7[%get3A_146] {strides = array<i32>} : memref<16384xi32, #tpu.memory_space<vmem>>, vector<16xi32>,
        %gather3A_148 = tpu.vector_load_idx %arg6[%get3A_147] : memref<101376xf32, #tpu.memory_space<vmem>>[vector<16xi32>], vector<16xf32>,
        %add3A_149 = arith.addf %add3A_121, %gather3A_148 : vector<16xf32>
        %scan3A_150 = arith.constant 4 : i32
        %scan3A_151 = arith.addi %scan3A_38, %scan3A_150 : i32
        %mul3A_152 = arith.constant 64 : i32
        %mul3A_153 = arith.muli %scan3A_151, %mul3A_152 : i32
        %add3A_154 = arith.constant 0 : i32
        %add3A_155 = arith.addi %mul3A_153, %add3A_154 : i32
        %get3A_156 = arith.index_cast %add3A_155 : i32 to index
        %get3A_157 = tpu.vector_load %arg7[%get3A_156] {strides = array<i32>} : memref<16384xi32, #tpu.memory_space<vmem>>, vector<16xi32>,
        %gather3A_158 = tpu.vector_load_idx %arg6[%get3A_157] : memref<101376xf32, #tpu.memory_space<vmem>>[vector<16xi32>], vector<16xf32>,
        %add3A_159 = arith.addf %add3A_131, %gather3A_158 : vector<16xf32>
        %add3A_160 = arith.constant 16 : i32
        %add3A_161 = arith.addi %mul3A_153, %add3A_160 : i32
        %get3A_162 = arith.index_cast %add3A_161 : i32 to index
        %get3A_163 = tpu.vector_load %arg7[%get3A_162] {strides = array<i32>} : memref<16384xi32, #tpu.memory_space<vmem>>, vector<16xi32>,
        %gather3A_164 = tpu.vector_load_idx %arg6[%get3A_163] : memref<101376xf32, #tpu.memory_space<vmem>>[vector<16xi32>], vector<16xf32>,
        %add3A_165 = arith.addf %add3A_137, %gather3A_164 : vector<16xf32>
        %add3A_166 = arith.constant 32 : i32
        %add3A_167 = arith.addi %mul3A_153, %add3A_166 : i32
        %get3A_168 = arith.index_cast %add3A_167 : i32 to index
        %get3A_169 = tpu.vector_load %arg7[%get3A_168] {strides = array<i32>} : memref<16384xi32, #tpu.memory_space<vmem>>, vector<16xi32>,
        %gather3A_170 = tpu.vector_load_idx %arg6[%get3A_169] : memref<101376xf32, #tpu.memory_space<vmem>>[vector<16xi32>], vector<16xf32>,
        %add3A_171 = arith.addf %add3A_143, %gather3A_170 : vector<16xf32>
        %add3A_172 = arith.constant 48 : i32
        %add3A_173 = arith.addi %mul3A_153, %add3A_172 : i32
        %get3A_174 = arith.index_cast %add3A_173 : i32 to index
        %get3A_175 = tpu.vector_load %arg7[%get3A_174] {strides = array<i32>} : memref<16384xi32, #tpu.memory_space<vmem>>, vector<16xi32>,
        %gather3A_176 = tpu.vector_load_idx %arg6[%get3A_175] : memref<101376xf32, #tpu.memory_space<vmem>>[vector<16xi32>], vector<16xf32>,
        %add3A_177 = arith.addf %add3A_149, %gather3A_176 : vector<16xf32>
        %scan3A_178 = arith.constant 5 : i32
        %scan3A_179 = arith.addi %scan3A_38, %scan3A_178 : i32
        %mul3A_180 = arith.constant 64 : i32
        %mul3A_181 = arith.muli %scan3A_179, %mul3A_180 : i32
        %add3A_182 = arith.constant 0 : i32
        %add3A_183 = arith.addi %mul3A_181, %add3A_182 : i32
        %get3A_184 = arith.index_cast %add3A_183 : i32 to index
        %get3A_185 = tpu.vector_load %arg7[%get3A_184] {strides = array<i32>} : memref<16384xi32, #tpu.memory_space<vmem>>, vector<16xi32>,
        %gather3A_186 = tpu.vector_load_idx %arg6[%get3A_185] : memref<101376xf32, #tpu.memory_space<vmem>>[vector<16xi32>], vector<16xf32>,
        %add3A_187 = arith.addf %add3A_159, %gather3A_186 : vector<16xf32>
        %add3A_188 = arith.constant 16 : i32
        %add3A_189 = arith.addi %mul3A_181, %add3A_188 : i32
        %get3A_190 = arith.index_cast %add3A_189 : i32 to index
        %get3A_191 = tpu.vector_load %arg7[%get3A_190] {strides = array<i32>} : memref<16384xi32, #tpu.memory_space<vmem>>, vector<16xi32>,
        %gather3A_192 = tpu.vector_load_idx %arg6[%get3A_191] : memref<101376xf32, #tpu.memory_space<vmem>>[vector<16xi32>], vector<16xf32>,
        %add3A_193 = arith.addf %add3A_165, %gather3A_192 : vector<16xf32>
        %add3A_194 = arith.constant 32 : i32
        %add3A_195 = arith.addi %mul3A_181, %add3A_194 : i32
        %get3A_196 = arith.index_cast %add3A_195 : i32 to index
        %get3A_197 = tpu.vector_load %arg7[%get3A_196] {strides = array<i32>} : memref<16384xi32, #tpu.memory_space<vmem>>, vector<16xi32>,
        %gather3A_198 = tpu.vector_load_idx %arg6[%get3A_197] : memref<101376xf32, #tpu.memory_space<vmem>>[vector<16xi32>], vector<16xf32>,
        %add3A_199 = arith.addf %add3A_171, %gather3A_198 : vector<16xf32>
        %add3A_200 = arith.constant 48 : i32
        %add3A_201 = arith.addi %mul3A_181, %add3A_200 : i32
        %get3A_202 = arith.index_cast %add3A_201 : i32 to index
        %get3A_203 = tpu.vector_load %arg7[%get3A_202] {strides = array<i32>} : memref<16384xi32, #tpu.memory_space<vmem>>, vector<16xi32>,
        %gather3A_204 = tpu.vector_load_idx %arg6[%get3A_203] : memref<101376xf32, #tpu.memory_space<vmem>>[vector<16xi32>], vector<16xf32>,
        %add3A_205 = arith.addf %add3A_177, %gather3A_204 : vector<16xf32>
        %scan3A_206 = arith.constant 6 : i32
        %scan3A_207 = arith.addi %scan3A_38, %scan3A_206 : i32
        %mul3A_208 = arith.constant 64 : i32
        %mul3A_209 = arith.muli %scan3A_207, %mul3A_208 : i32
        %add3A_210 = arith.constant 0 : i32
        %add3A_211 = arith.addi %mul3A_209, %add3A_210 : i32
        %get3A_212 = arith.index_cast %add3A_211 : i32 to index
        %get3A_213 = tpu.vector_load %arg7[%get3A_212] {strides = array<i32>} : memref<16384xi32, #tpu.memory_space<vmem>>, vector<16xi32>,
        %gather3A_214 = tpu.vector_load_idx %arg6[%get3A_213] : memref<101376xf32, #tpu.memory_space<vmem>>[vector<16xi32>], vector<16xf32>,
        %add3A_215 = arith.addf %add3A_187, %gather3A_214 : vector<16xf32>
        %add3A_216 = arith.constant 16 : i32
        %add3A_217 = arith.addi %mul3A_209, %add3A_216 : i32
        %get3A_218 = arith.index_cast %add3A_217 : i32 to index
        %get3A_219 = tpu.vector_load %arg7[%get3A_218] {strides = array<i32>} : memref<16384xi32, #tpu.memory_space<vmem>>, vector<16xi32>,
        %gather3A_220 = tpu.vector_load_idx %arg6[%get3A_219] : memref<101376xf32, #tpu.memory_space<vmem>>[vector<16xi32>], vector<16xf32>,
        %add3A_221 = arith.addf %add3A_193, %gather3A_220 : vector<16xf32>
        %add3A_222 = arith.constant 32 : i32
        %add3A_223 = arith.addi %mul3A_209, %add3A_222 : i32
        %get3A_224 = arith.index_cast %add3A_223 : i32 to index
        %get3A_225 = tpu.vector_load %arg7[%get3A_224] {strides = array<i32>} : memref<16384xi32, #tpu.memory_space<vmem>>, vector<16xi32>,
        %gather3A_226 = tpu.vector_load_idx %arg6[%get3A_225] : memref<101376xf32, #tpu.memory_space<vmem>>[vector<16xi32>], vector<16xf32>,
        %add3A_227 = arith.addf %add3A_199, %gather3A_226 : vector<16xf32>
        %add3A_228 = arith.constant 48 : i32
        %add3A_229 = arith.addi %mul3A_209, %add3A_228 : i32
        %get3A_230 = arith.index_cast %add3A_229 : i32 to index
        %get3A_231 = tpu.vector_load %arg7[%get3A_230] {strides = array<i32>} : memref<16384xi32, #tpu.memory_space<vmem>>, vector<16xi32>,
        %gather3A_232 = tpu.vector_load_idx %arg6[%get3A_231] : memref<101376xf32, #tpu.memory_space<vmem>>[vector<16xi32>], vector<16xf32>,
        %add3A_233 = arith.addf %add3A_205, %gather3A_232 : vector<16xf32>
        %scan3A_234 = arith.constant 7 : i32
        %scan3A_235 = arith.addi %scan3A_38, %scan3A_234 : i32
        %mul3A_236 = arith.constant 64 : i32
        %mul3A_237 = arith.muli %scan3A_235, %mul3A_236 : i32
        %add3A_238 = arith.constant 0 : i32
        %add3A_239 = arith.addi %mul3A_237, %add3A_238 : i32
        %get3A_240 = arith.index_cast %add3A_239 : i32 to index
        %get3A_241 = tpu.vector_load %arg7[%get3A_240] {strides = array<i32>} : memref<16384xi32, #tpu.memory_space<vmem>>, vector<16xi32>,
        %gather3A_242 = tpu.vector_load_idx %arg6[%get3A_241] : memref<101376xf32, #tpu.memory_space<vmem>>[vector<16xi32>], vector<16xf32>,
        %add3A_243 = arith.addf %add3A_215, %gather3A_242 : vector<16xf32>
        %add3A_244 = arith.constant 16 : i32
        %add3A_245 = arith.addi %mul3A_237, %add3A_244 : i32
        %get3A_246 = arith.index_cast %add3A_245 : i32 to index
        %get3A_247 = tpu.vector_load %arg7[%get3A_246] {strides = array<i32>} : memref<16384xi32, #tpu.memory_space<vmem>>, vector<16xi32>,
        %gather3A_248 = tpu.vector_load_idx %arg6[%get3A_247] : memref<101376xf32, #tpu.memory_space<vmem>>[vector<16xi32>], vector<16xf32>,
        %add3A_249 = arith.addf %add3A_221, %gather3A_248 : vector<16xf32>
        %add3A_250 = arith.constant 32 : i32
        %add3A_251 = arith.addi %mul3A_237, %add3A_250 : i32
        %get3A_252 = arith.index_cast %add3A_251 : i32 to index
        %get3A_253 = tpu.vector_load %arg7[%get3A_252] {strides = array<i32>} : memref<16384xi32, #tpu.memory_space<vmem>>, vector<16xi32>,
        %gather3A_254 = tpu.vector_load_idx %arg6[%get3A_253] : memref<101376xf32, #tpu.memory_space<vmem>>[vector<16xi32>], vector<16xf32>,
        %add3A_255 = arith.addf %add3A_227, %gather3A_254 : vector<16xf32>
        %add3A_256 = arith.constant 48 : i32
        %add3A_257 = arith.addi %mul3A_237, %add3A_256 : i32
        %get3A_258 = arith.index_cast %add3A_257 : i32 to index
        %get3A_259 = tpu.vector_load %arg7[%get3A_258] {strides = array<i32>} : memref<16384xi32, #tpu.memory_space<vmem>>, vector<16xi32>,
        %gather3A_260 = tpu.vector_load_idx %arg6[%get3A_259] : memref<101376xf32, #tpu.memory_space<vmem>>[vector<16xi32>], vector<16xf32>,
        %add3A_261 = arith.addf %add3A_233, %gather3A_260 : vector<16xf32>
        scf.yield %add3A_243, %add3A_249, %add3A_255, %add3A_261 : vector<16xf32>, vector<16xf32>, vector<16xf32>, vector<16xf32>
      }
      %scan3A_29 = arith.constant 256 : i32
      %swap3A = arith.constant 0 : index
      %swap3A_30 = tpu.vector_load %arg8[%swap3A] {strides = array<i32>} : memref<64xf32, #tpu.memory_space<vmem>>, vector<16xf32>,
      tpu.vector_store %arg8[%swap3A], %scan3A_28#0 {strides = array<i32>} : memref<64xf32, #tpu.memory_space<vmem>>, vector<16xf32>,
      %swap3A_31 = arith.constant 16 : index
      %swap3A_32 = tpu.vector_load %arg8[%swap3A_31] {strides = array<i32>} : memref<64xf32, #tpu.memory_space<vmem>>, vector<16xf32>,
      tpu.vector_store %arg8[%swap3A_31], %scan3A_28#1 {strides = array<i32>} : memref<64xf32, #tpu.memory_space<vmem>>, vector<16xf32>,
      %swap3A_33 = arith.constant 32 : index
      %swap3A_34 = tpu.vector_load %arg8[%swap3A_33] {strides = array<i32>} : memref<64xf32, #tpu.memory_space<vmem>>, vector<16xf32>,
      tpu.vector_store %arg8[%swap3A_33], %scan3A_28#2 {strides = array<i32>} : memref<64xf32, #tpu.memory_space<vmem>>, vector<16xf32>,
      %swap3A_35 = arith.constant 48 : index
      %swap3A_36 = tpu.vector_load %arg8[%swap3A_35] {strides = array<i32>} : memref<64xf32, #tpu.memory_space<vmem>>, vector<16xf32>,
      tpu.vector_store %arg8[%swap3A_35], %scan3A_28#3 {strides = array<i32>} : memref<64xf32, #tpu.memory_space<vmem>>, vector<16xf32>,
      %mul3A = arith.constant 64 : i32
      %mul3A_37 = arith.muli %arg1, %mul3A : i32
      "tpu.region"() ({
        %run_scoped3A = tpu.sem_alloc : memref<!tpu.dma_semaphore, #tpu.memory_space<semaphore_mem>>
        %dma_start3A_38 = tpu.memref_slice %arg9[%mul3A_37] : memref<1024xf32, #tpu.memory_space<vmem_shared>> -> memref<64xf32, #tpu.memory_space<vmem_shared>>
        %dma_start3A_39 = tpu.memref_slice %arg9[%mul3A_37] : memref<1024xf32, #tpu.memory_space<vmem_shared>> -> memref<64xf32, #tpu.memory_space<vmem_shared>>
        tpu.enqueue_dma source(%arg8 : memref<64xf32, #tpu.memory_space<vmem>>) target(%dma_start3A_39 : memref<64xf32, #tpu.memory_space<vmem_shared>>) target_semaphore(%run_scoped3A : memref<!tpu.dma_semaphore, #tpu.memory_space<semaphore_mem>>)
        %dma_wait3A_40 = tpu.memref_slice %arg9[%mul3A_37] : memref<1024xf32, #tpu.memory_space<vmem_shared>> -> memref<64xf32, #tpu.memory_space<vmem_shared>>
        %dma_wait3A_41 = tpu.memref_slice %arg9[%mul3A_37] : memref<1024xf32, #tpu.memory_space<vmem_shared>> -> memref<64xf32, #tpu.memory_space<vmem_shared>>
        tpu.wait_dma2 semaphore(%run_scoped3A : memref<!tpu.dma_semaphore, #tpu.memory_space<semaphore_mem>>) src(%arg8 : memref<64xf32, #tpu.memory_space<vmem>>) dst(%dma_wait3A_41 : memref<64xf32, #tpu.memory_space<vmem_shared>>)
        tpu.yield
      }) : () -> ()
    } else {
    }
    %barrier3A = arith.constant 0 : index
    tpu.barrier barrier_id(%barrier3A)
    %eq3A = arith.constant 0 : i32
    %eq3A_3 = arith.cmpi eq, %arg1, %eq3A : i32
    %convert_element_type3A_4 = arith.extui %eq3A_3 : i1 to i32
    %cond3A_5 = arith.constant 0 : i32
    %cond3A_6 = arith.cmpi ne, %convert_element_type3A_4, %cond3A_5 : i32
    scf.if %cond3A_6 {
      "tpu.region"() ({
        %run_scoped3A = tpu.sem_alloc : memref<!tpu.dma_semaphore, #tpu.memory_space<semaphore_mem>>
        tpu.enqueue_dma source(%arg9 : memref<1024xf32, #tpu.memory_space<vmem_shared>>) target(%arg10 : memref<1024xf32, #tpu.memory_space<vmem>>) target_semaphore(%run_scoped3A : memref<!tpu.dma_semaphore, #tpu.memory_space<semaphore_mem>>)
        tpu.wait_dma2 semaphore(%run_scoped3A : memref<!tpu.dma_semaphore, #tpu.memory_space<semaphore_mem>>) src(%arg9 : memref<1024xf32, #tpu.memory_space<vmem_shared>>) dst(%arg10 : memref<1024xf32, #tpu.memory_space<vmem>>)
        tpu.yield
      }) : () -> ()
      "tpu.region"() ({
        %run_scoped3A = tpu.sem_alloc : memref<!tpu.dma_semaphore, #tpu.memory_space<semaphore_mem>>
        tpu.enqueue_dma source(%arg4 : memref<16xf32, #tpu.memory_space<hbm>>) target(%arg12 : memref<16xf32, #tpu.memory_space<vmem>>) target_semaphore(%run_scoped3A : memref<!tpu.dma_semaphore, #tpu.memory_space<semaphore_mem>>)
        tpu.wait_dma2 semaphore(%run_scoped3A : memref<!tpu.dma_semaphore, #tpu.memory_space<semaphore_mem>>) src(%arg4 : memref<16xf32, #tpu.memory_space<hbm>>) dst(%arg12 : memref<16xf32, #tpu.memory_space<vmem>>)
        tpu.yield
      }) : () -> ()
      %get3A = arith.constant 0 : index
      %get3A_7 = tpu.vector_load %arg10[%get3A] {strides = array<i32>} : memref<1024xf32, #tpu.memory_space<vmem>>, vector<16xf32>,
      %add3A = arith.addf %broadcast_in_dim3A_0, %get3A_7 : vector<16xf32>
      %get3A_8 = arith.constant 16 : index
      %get3A_9 = tpu.vector_load %arg10[%get3A_8] {strides = array<i32>} : memref<1024xf32, #tpu.memory_space<vmem>>, vector<16xf32>,
      %add3A_10 = arith.addf %broadcast_in_dim3A_0, %get3A_9 : vector<16xf32>
      %get3A_11 = arith.constant 32 : index
      %get3A_12 = tpu.vector_load %arg10[%get3A_11] {strides = array<i32>} : memref<1024xf32, #tpu.memory_space<vmem>>, vector<16xf32>,
      %add3A_13 = arith.addf %broadcast_in_dim3A_0, %get3A_12 : vector<16xf32>
      %get3A_14 = arith.constant 48 : index
      %get3A_15 = tpu.vector_load %arg10[%get3A_14] {strides = array<i32>} : memref<1024xf32, #tpu.memory_space<vmem>>, vector<16xf32>,
      %add3A_16 = arith.addf %broadcast_in_dim3A_0, %get3A_15 : vector<16xf32>
      %get3A_17 = arith.constant 64 : index
      %get3A_18 = tpu.vector_load %arg10[%get3A_17] {strides = array<i32>} : memref<1024xf32, #tpu.memory_space<vmem>>, vector<16xf32>,
      %add3A_19 = arith.addf %add3A, %get3A_18 : vector<16xf32>
      %get3A_20 = arith.constant 80 : index
      %get3A_21 = tpu.vector_load %arg10[%get3A_20] {strides = array<i32>} : memref<1024xf32, #tpu.memory_space<vmem>>, vector<16xf32>,
      %add3A_22 = arith.addf %add3A_10, %get3A_21 : vector<16xf32>
      %get3A_23 = arith.constant 96 : index
      %get3A_24 = tpu.vector_load %arg10[%get3A_23] {strides = array<i32>} : memref<1024xf32, #tpu.memory_space<vmem>>, vector<16xf32>,
      %add3A_25 = arith.addf %add3A_13, %get3A_24 : vector<16xf32>
      %get3A_26 = arith.constant 112 : index
      %get3A_27 = tpu.vector_load %arg10[%get3A_26] {strides = array<i32>} : memref<1024xf32, #tpu.memory_space<vmem>>, vector<16xf32>,
      %add3A_28 = arith.addf %add3A_16, %get3A_27 : vector<16xf32>
      %get3A_29 = arith.constant 128 : index
      %get3A_30 = tpu.vector_load %arg10[%get3A_29] {strides = array<i32>} : memref<1024xf32, #tpu.memory_space<vmem>>, vector<16xf32>,
      %add3A_31 = arith.addf %add3A_19, %get3A_30 : vector<16xf32>
      %get3A_32 = arith.constant 144 : index
      %get3A_33 = tpu.vector_load %arg10[%get3A_32] {strides = array<i32>} : memref<1024xf32, #tpu.memory_space<vmem>>, vector<16xf32>,
      %add3A_34 = arith.addf %add3A_22, %get3A_33 : vector<16xf32>
      %get3A_35 = arith.constant 160 : index
      %get3A_36 = tpu.vector_load %arg10[%get3A_35] {strides = array<i32>} : memref<1024xf32, #tpu.memory_space<vmem>>, vector<16xf32>,
      %add3A_37 = arith.addf %add3A_25, %get3A_36 : vector<16xf32>
      %get3A_38 = arith.constant 176 : index
      %get3A_39 = tpu.vector_load %arg10[%get3A_38] {strides = array<i32>} : memref<1024xf32, #tpu.memory_space<vmem>>, vector<16xf32>,
      %add3A_40 = arith.addf %add3A_28, %get3A_39 : vector<16xf32>
      %get3A_41 = arith.constant 192 : index
      %get3A_42 = tpu.vector_load %arg10[%get3A_41] {strides = array<i32>} : memref<1024xf32, #tpu.memory_space<vmem>>, vector<16xf32>,
      %add3A_43 = arith.addf %add3A_31, %get3A_42 : vector<16xf32>
      %get3A_44 = arith.constant 208 : index
      %get3A_45 = tpu.vector_load %arg10[%get3A_44] {strides = array<i32>} : memref<1024xf32, #tpu.memory_space<vmem>>, vector<16xf32>,
      %add3A_46 = arith.addf %add3A_34, %get3A_45 : vector<16xf32>
      %get3A_47 = arith.constant 224 : index
      %get3A_48 = tpu.vector_load %arg10[%get3A_47] {strides = array<i32>} : memref<1024xf32, #tpu.memory_space<vmem>>, vector<16xf32>,
      %add3A_49 = arith.addf %add3A_37, %get3A_48 : vector<16xf32>
      %get3A_50 = arith.constant 240 : index
      %get3A_51 = tpu.vector_load %arg10[%get3A_50] {strides = array<i32>} : memref<1024xf32, #tpu.memory_space<vmem>>, vector<16xf32>,
      %add3A_52 = arith.addf %add3A_40, %get3A_51 : vector<16xf32>
      %get3A_53 = arith.constant 256 : index
      %get3A_54 = tpu.vector_load %arg10[%get3A_53] {strides = array<i32>} : memref<1024xf32, #tpu.memory_space<vmem>>, vector<16xf32>,
      %add3A_55 = arith.addf %add3A_43, %get3A_54 : vector<16xf32>
      %get3A_56 = arith.constant 272 : index
      %get3A_57 = tpu.vector_load %arg10[%get3A_56] {strides = array<i32>} : memref<1024xf32, #tpu.memory_space<vmem>>, vector<16xf32>,
      %add3A_58 = arith.addf %add3A_46, %get3A_57 : vector<16xf32>
      %get3A_59 = arith.constant 288 : index
      %get3A_60 = tpu.vector_load %arg10[%get3A_59] {strides = array<i32>} : memref<1024xf32, #tpu.memory_space<vmem>>, vector<16xf32>,
      %add3A_61 = arith.addf %add3A_49, %get3A_60 : vector<16xf32>
      %get3A_62 = arith.constant 304 : index
      %get3A_63 = tpu.vector_load %arg10[%get3A_62] {strides = array<i32>} : memref<1024xf32, #tpu.memory_space<vmem>>, vector<16xf32>,
      %add3A_64 = arith.addf %add3A_52, %get3A_63 : vector<16xf32>
      %get3A_65 = arith.constant 320 : index
      %get3A_66 = tpu.vector_load %arg10[%get3A_65] {strides = array<i32>} : memref<1024xf32, #tpu.memory_space<vmem>>, vector<16xf32>,
      %add3A_67 = arith.addf %add3A_55, %get3A_66 : vector<16xf32>
      %get3A_68 = arith.constant 336 : index
      %get3A_69 = tpu.vector_load %arg10[%get3A_68] {strides = array<i32>} : memref<1024xf32, #tpu.memory_space<vmem>>, vector<16xf32>,
      %add3A_70 = arith.addf %add3A_58, %get3A_69 : vector<16xf32>
      %get3A_71 = arith.constant 352 : index
      %get3A_72 = tpu.vector_load %arg10[%get3A_71] {strides = array<i32>} : memref<1024xf32, #tpu.memory_space<vmem>>, vector<16xf32>,
      %add3A_73 = arith.addf %add3A_61, %get3A_72 : vector<16xf32>
      %get3A_74 = arith.constant 368 : index
      %get3A_75 = tpu.vector_load %arg10[%get3A_74] {strides = array<i32>} : memref<1024xf32, #tpu.memory_space<vmem>>, vector<16xf32>,
      %add3A_76 = arith.addf %add3A_64, %get3A_75 : vector<16xf32>
      %get3A_77 = arith.constant 384 : index
      %get3A_78 = tpu.vector_load %arg10[%get3A_77] {strides = array<i32>} : memref<1024xf32, #tpu.memory_space<vmem>>, vector<16xf32>,
      %add3A_79 = arith.addf %add3A_67, %get3A_78 : vector<16xf32>
      %get3A_80 = arith.constant 400 : index
      %get3A_81 = tpu.vector_load %arg10[%get3A_80] {strides = array<i32>} : memref<1024xf32, #tpu.memory_space<vmem>>, vector<16xf32>,
      %add3A_82 = arith.addf %add3A_70, %get3A_81 : vector<16xf32>
      %get3A_83 = arith.constant 416 : index
      %get3A_84 = tpu.vector_load %arg10[%get3A_83] {strides = array<i32>} : memref<1024xf32, #tpu.memory_space<vmem>>, vector<16xf32>,
      %add3A_85 = arith.addf %add3A_73, %get3A_84 : vector<16xf32>
      %get3A_86 = arith.constant 432 : index
      %get3A_87 = tpu.vector_load %arg10[%get3A_86] {strides = array<i32>} : memref<1024xf32, #tpu.memory_space<vmem>>, vector<16xf32>,
      %add3A_88 = arith.addf %add3A_76, %get3A_87 : vector<16xf32>
      %get3A_89 = arith.constant 448 : index
      %get3A_90 = tpu.vector_load %arg10[%get3A_89] {strides = array<i32>} : memref<1024xf32, #tpu.memory_space<vmem>>, vector<16xf32>,
      %add3A_91 = arith.addf %add3A_79, %get3A_90 : vector<16xf32>
      %get3A_92 = arith.constant 464 : index
      %get3A_93 = tpu.vector_load %arg10[%get3A_92] {strides = array<i32>} : memref<1024xf32, #tpu.memory_space<vmem>>, vector<16xf32>,
      %add3A_94 = arith.addf %add3A_82, %get3A_93 : vector<16xf32>
      %get3A_95 = arith.constant 480 : index
      %get3A_96 = tpu.vector_load %arg10[%get3A_95] {strides = array<i32>} : memref<1024xf32, #tpu.memory_space<vmem>>, vector<16xf32>,
      %add3A_97 = arith.addf %add3A_85, %get3A_96 : vector<16xf32>
      %get3A_98 = arith.constant 496 : index
      %get3A_99 = tpu.vector_load %arg10[%get3A_98] {strides = array<i32>} : memref<1024xf32, #tpu.memory_space<vmem>>, vector<16xf32>,
      %add3A_100 = arith.addf %add3A_88, %get3A_99 : vector<16xf32>
      %get3A_101 = arith.constant 512 : index
      %get3A_102 = tpu.vector_load %arg10[%get3A_101] {strides = array<i32>} : memref<1024xf32, #tpu.memory_space<vmem>>, vector<16xf32>,
      %add3A_103 = arith.addf %add3A_91, %get3A_102 : vector<16xf32>
      %get3A_104 = arith.constant 528 : index
      %get3A_105 = tpu.vector_load %arg10[%get3A_104] {strides = array<i32>} : memref<1024xf32, #tpu.memory_space<vmem>>, vector<16xf32>,
      %add3A_106 = arith.addf %add3A_94, %get3A_105 : vector<16xf32>
      %get3A_107 = arith.constant 544 : index
      %get3A_108 = tpu.vector_load %arg10[%get3A_107] {strides = array<i32>} : memref<1024xf32, #tpu.memory_space<vmem>>, vector<16xf32>,
      %add3A_109 = arith.addf %add3A_97, %get3A_108 : vector<16xf32>
      %get3A_110 = arith.constant 560 : index
      %get3A_111 = tpu.vector_load %arg10[%get3A_110] {strides = array<i32>} : memref<1024xf32, #tpu.memory_space<vmem>>, vector<16xf32>,
      %add3A_112 = arith.addf %add3A_100, %get3A_111 : vector<16xf32>
      %get3A_113 = arith.constant 576 : index
      %get3A_114 = tpu.vector_load %arg10[%get3A_113] {strides = array<i32>} : memref<1024xf32, #tpu.memory_space<vmem>>, vector<16xf32>,
      %add3A_115 = arith.addf %add3A_103, %get3A_114 : vector<16xf32>
      %get3A_116 = arith.constant 592 : index
      %get3A_117 = tpu.vector_load %arg10[%get3A_116] {strides = array<i32>} : memref<1024xf32, #tpu.memory_space<vmem>>, vector<16xf32>,
      %add3A_118 = arith.addf %add3A_106, %get3A_117 : vector<16xf32>
      %get3A_119 = arith.constant 608 : index
      %get3A_120 = tpu.vector_load %arg10[%get3A_119] {strides = array<i32>} : memref<1024xf32, #tpu.memory_space<vmem>>, vector<16xf32>,
      %add3A_121 = arith.addf %add3A_109, %get3A_120 : vector<16xf32>
      %get3A_122 = arith.constant 624 : index
      %get3A_123 = tpu.vector_load %arg10[%get3A_122] {strides = array<i32>} : memref<1024xf32, #tpu.memory_space<vmem>>, vector<16xf32>,
      %add3A_124 = arith.addf %add3A_112, %get3A_123 : vector<16xf32>
      %get3A_125 = arith.constant 640 : index
      %get3A_126 = tpu.vector_load %arg10[%get3A_125] {strides = array<i32>} : memref<1024xf32, #tpu.memory_space<vmem>>, vector<16xf32>,
      %add3A_127 = arith.addf %add3A_115, %get3A_126 : vector<16xf32>
      %get3A_128 = arith.constant 656 : index
      %get3A_129 = tpu.vector_load %arg10[%get3A_128] {strides = array<i32>} : memref<1024xf32, #tpu.memory_space<vmem>>, vector<16xf32>,
      %add3A_130 = arith.addf %add3A_118, %get3A_129 : vector<16xf32>
      %get3A_131 = arith.constant 672 : index
      %get3A_132 = tpu.vector_load %arg10[%get3A_131] {strides = array<i32>} : memref<1024xf32, #tpu.memory_space<vmem>>, vector<16xf32>,
      %add3A_133 = arith.addf %add3A_121, %get3A_132 : vector<16xf32>
      %get3A_134 = arith.constant 688 : index
      %get3A_135 = tpu.vector_load %arg10[%get3A_134] {strides = array<i32>} : memref<1024xf32, #tpu.memory_space<vmem>>, vector<16xf32>,
      %add3A_136 = arith.addf %add3A_124, %get3A_135 : vector<16xf32>
      %get3A_137 = arith.constant 704 : index
      %get3A_138 = tpu.vector_load %arg10[%get3A_137] {strides = array<i32>} : memref<1024xf32, #tpu.memory_space<vmem>>, vector<16xf32>,
      %add3A_139 = arith.addf %add3A_127, %get3A_138 : vector<16xf32>
      %get3A_140 = arith.constant 720 : index
      %get3A_141 = tpu.vector_load %arg10[%get3A_140] {strides = array<i32>} : memref<1024xf32, #tpu.memory_space<vmem>>, vector<16xf32>,
      %add3A_142 = arith.addf %add3A_130, %get3A_141 : vector<16xf32>
      %get3A_143 = arith.constant 736 : index
      %get3A_144 = tpu.vector_load %arg10[%get3A_143] {strides = array<i32>} : memref<1024xf32, #tpu.memory_space<vmem>>, vector<16xf32>,
      %add3A_145 = arith.addf %add3A_133, %get3A_144 : vector<16xf32>
      %get3A_146 = arith.constant 752 : index
      %get3A_147 = tpu.vector_load %arg10[%get3A_146] {strides = array<i32>} : memref<1024xf32, #tpu.memory_space<vmem>>, vector<16xf32>,
      %add3A_148 = arith.addf %add3A_136, %get3A_147 : vector<16xf32>
      %get3A_149 = arith.constant 768 : index
      %get3A_150 = tpu.vector_load %arg10[%get3A_149] {strides = array<i32>} : memref<1024xf32, #tpu.memory_space<vmem>>, vector<16xf32>,
      %add3A_151 = arith.addf %add3A_139, %get3A_150 : vector<16xf32>
      %get3A_152 = arith.constant 784 : index
      %get3A_153 = tpu.vector_load %arg10[%get3A_152] {strides = array<i32>} : memref<1024xf32, #tpu.memory_space<vmem>>, vector<16xf32>,
      %add3A_154 = arith.addf %add3A_142, %get3A_153 : vector<16xf32>
      %get3A_155 = arith.constant 800 : index
      %get3A_156 = tpu.vector_load %arg10[%get3A_155] {strides = array<i32>} : memref<1024xf32, #tpu.memory_space<vmem>>, vector<16xf32>,
      %add3A_157 = arith.addf %add3A_145, %get3A_156 : vector<16xf32>
      %get3A_158 = arith.constant 816 : index
      %get3A_159 = tpu.vector_load %arg10[%get3A_158] {strides = array<i32>} : memref<1024xf32, #tpu.memory_space<vmem>>, vector<16xf32>,
      %add3A_160 = arith.addf %add3A_148, %get3A_159 : vector<16xf32>
      %get3A_161 = arith.constant 832 : index
      %get3A_162 = tpu.vector_load %arg10[%get3A_161] {strides = array<i32>} : memref<1024xf32, #tpu.memory_space<vmem>>, vector<16xf32>,
      %add3A_163 = arith.addf %add3A_151, %get3A_162 : vector<16xf32>
      %get3A_164 = arith.constant 848 : index
      %get3A_165 = tpu.vector_load %arg10[%get3A_164] {strides = array<i32>} : memref<1024xf32, #tpu.memory_space<vmem>>, vector<16xf32>,
      %add3A_166 = arith.addf %add3A_154, %get3A_165 : vector<16xf32>
      %get3A_167 = arith.constant 864 : index
      %get3A_168 = tpu.vector_load %arg10[%get3A_167] {strides = array<i32>} : memref<1024xf32, #tpu.memory_space<vmem>>, vector<16xf32>,
      %add3A_169 = arith.addf %add3A_157, %get3A_168 : vector<16xf32>
      %get3A_170 = arith.constant 880 : index
      %get3A_171 = tpu.vector_load %arg10[%get3A_170] {strides = array<i32>} : memref<1024xf32, #tpu.memory_space<vmem>>, vector<16xf32>,
      %add3A_172 = arith.addf %add3A_160, %get3A_171 : vector<16xf32>
      %get3A_173 = arith.constant 896 : index
      %get3A_174 = tpu.vector_load %arg10[%get3A_173] {strides = array<i32>} : memref<1024xf32, #tpu.memory_space<vmem>>, vector<16xf32>,
      %add3A_175 = arith.addf %add3A_163, %get3A_174 : vector<16xf32>
      %get3A_176 = arith.constant 912 : index
      %get3A_177 = tpu.vector_load %arg10[%get3A_176] {strides = array<i32>} : memref<1024xf32, #tpu.memory_space<vmem>>, vector<16xf32>,
      %add3A_178 = arith.addf %add3A_166, %get3A_177 : vector<16xf32>
      %get3A_179 = arith.constant 928 : index
      %get3A_180 = tpu.vector_load %arg10[%get3A_179] {strides = array<i32>} : memref<1024xf32, #tpu.memory_space<vmem>>, vector<16xf32>,
      %add3A_181 = arith.addf %add3A_169, %get3A_180 : vector<16xf32>
      %get3A_182 = arith.constant 944 : index
      %get3A_183 = tpu.vector_load %arg10[%get3A_182] {strides = array<i32>} : memref<1024xf32, #tpu.memory_space<vmem>>, vector<16xf32>,
      %add3A_184 = arith.addf %add3A_172, %get3A_183 : vector<16xf32>
      %get3A_185 = arith.constant 960 : index
      %get3A_186 = tpu.vector_load %arg10[%get3A_185] {strides = array<i32>} : memref<1024xf32, #tpu.memory_space<vmem>>, vector<16xf32>,
      %add3A_187 = arith.addf %add3A_175, %get3A_186 : vector<16xf32>
      %get3A_188 = arith.constant 976 : index
      %get3A_189 = tpu.vector_load %arg10[%get3A_188] {strides = array<i32>} : memref<1024xf32, #tpu.memory_space<vmem>>, vector<16xf32>,
      %add3A_190 = arith.addf %add3A_178, %get3A_189 : vector<16xf32>
      %get3A_191 = arith.constant 992 : index
      %get3A_192 = tpu.vector_load %arg10[%get3A_191] {strides = array<i32>} : memref<1024xf32, #tpu.memory_space<vmem>>, vector<16xf32>,
      %add3A_193 = arith.addf %add3A_181, %get3A_192 : vector<16xf32>
      %get3A_194 = arith.constant 1008 : index
      %get3A_195 = tpu.vector_load %arg10[%get3A_194] {strides = array<i32>} : memref<1024xf32, #tpu.memory_space<vmem>>, vector<16xf32>,
      %add3A_196 = arith.addf %add3A_184, %get3A_195 : vector<16xf32>
      %get3A_197 = arith.constant 0 : index
      %get3A_198 = tpu.vector_load %arg12[%get3A_197] {strides = array<i32>} : memref<16xf32, #tpu.memory_space<vmem>>, vector<16xf32>,
      %mul3A = arith.constant 2.44140625E-4 : f32
      %mul3A_199 = vector.broadcast %mul3A : f32 to vector<16xf32>
      %mul3A_200 = arith.mulf %add3A_187, %mul3A_199 : vector<16xf32>
      %add3A_201 = arith.addf %mul3A_200, %get3A_198 : vector<16xf32>
      %neg3A = arith.constant 0.000000e+00 : f32
      %neg3A_202 = vector.broadcast %neg3A : f32 to vector<16xf32>
      %neg3A_203 = arith.subf %neg3A_202, %add3A_201 : vector<16xf32>
      %exp3A = math.exp %neg3A_203 : vector<16xf32>
      %add3A_204 = arith.constant 1.000000e+00 : f32
      %add3A_205 = vector.broadcast %add3A_204 : f32 to vector<16xf32>
      %add3A_206 = arith.addf %add3A_205, %exp3A : vector<16xf32>
      %div3A = arith.constant 1.000000e+00 : f32
      %div3A_207 = vector.broadcast %div3A : f32 to vector<16xf32>
      %div3A_208 = arith.divf %div3A_207, %add3A_206 : vector<16xf32>
      %swap3A = arith.constant 0 : index
      %swap3A_209 = tpu.vector_load %arg11[%swap3A] {strides = array<i32>} : memref<64xf32, #tpu.memory_space<vmem>>, vector<16xf32>,
      tpu.vector_store %arg11[%swap3A], %div3A_208 {strides = array<i32>} : memref<64xf32, #tpu.memory_space<vmem>>, vector<16xf32>,
      %mul3A_210 = arith.constant 2.44140625E-4 : f32
      %mul3A_211 = vector.broadcast %mul3A_210 : f32 to vector<16xf32>
      %mul3A_212 = arith.mulf %add3A_190, %mul3A_211 : vector<16xf32>
      %add3A_213 = arith.addf %mul3A_212, %get3A_198 : vector<16xf32>
      %neg3A_214 = arith.constant 0.000000e+00 : f32
      %neg3A_215 = vector.broadcast %neg3A_214 : f32 to vector<16xf32>
      %neg3A_216 = arith.subf %neg3A_215, %add3A_213 : vector<16xf32>
      %exp3A_217 = math.exp %neg3A_216 : vector<16xf32>
      %add3A_218 = arith.constant 1.000000e+00 : f32
      %add3A_219 = vector.broadcast %add3A_218 : f32 to vector<16xf32>
      %add3A_220 = arith.addf %add3A_219, %exp3A_217 : vector<16xf32>
      %div3A_221 = arith.constant 1.000000e+00 : f32
      %div3A_222 = vector.broadcast %div3A_221 : f32 to vector<16xf32>
      %div3A_223 = arith.divf %div3A_222, %add3A_220 : vector<16xf32>
      %swap3A_224 = arith.constant 16 : index
      %swap3A_225 = tpu.vector_load %arg11[%swap3A_224] {strides = array<i32>} : memref<64xf32, #tpu.memory_space<vmem>>, vector<16xf32>,
      tpu.vector_store %arg11[%swap3A_224], %div3A_223 {strides = array<i32>} : memref<64xf32, #tpu.memory_space<vmem>>, vector<16xf32>,
      %mul3A_226 = arith.constant 2.44140625E-4 : f32
      %mul3A_227 = vector.broadcast %mul3A_226 : f32 to vector<16xf32>
      %mul3A_228 = arith.mulf %add3A_193, %mul3A_227 : vector<16xf32>
      %add3A_229 = arith.addf %mul3A_228, %get3A_198 : vector<16xf32>
      %neg3A_230 = arith.constant 0.000000e+00 : f32
      %neg3A_231 = vector.broadcast %neg3A_230 : f32 to vector<16xf32>
      %neg3A_232 = arith.subf %neg3A_231, %add3A_229 : vector<16xf32>
      %exp3A_233 = math.exp %neg3A_232 : vector<16xf32>
      %add3A_234 = arith.constant 1.000000e+00 : f32
      %add3A_235 = vector.broadcast %add3A_234 : f32 to vector<16xf32>
      %add3A_236 = arith.addf %add3A_235, %exp3A_233 : vector<16xf32>
      %div3A_237 = arith.constant 1.000000e+00 : f32
      %div3A_238 = vector.broadcast %div3A_237 : f32 to vector<16xf32>
      %div3A_239 = arith.divf %div3A_238, %add3A_236 : vector<16xf32>
      %swap3A_240 = arith.constant 32 : index
      %swap3A_241 = tpu.vector_load %arg11[%swap3A_240] {strides = array<i32>} : memref<64xf32, #tpu.memory_space<vmem>>, vector<16xf32>,
      tpu.vector_store %arg11[%swap3A_240], %div3A_239 {strides = array<i32>} : memref<64xf32, #tpu.memory_space<vmem>>, vector<16xf32>,
      %mul3A_242 = arith.constant 2.44140625E-4 : f32
      %mul3A_243 = vector.broadcast %mul3A_242 : f32 to vector<16xf32>
      %mul3A_244 = arith.mulf %add3A_196, %mul3A_243 : vector<16xf32>
      %add3A_245 = arith.addf %mul3A_244, %get3A_198 : vector<16xf32>
      %neg3A_246 = arith.constant 0.000000e+00 : f32
      %neg3A_247 = vector.broadcast %neg3A_246 : f32 to vector<16xf32>
      %neg3A_248 = arith.subf %neg3A_247, %add3A_245 : vector<16xf32>
      %exp3A_249 = math.exp %neg3A_248 : vector<16xf32>
      %add3A_250 = arith.constant 1.000000e+00 : f32
      %add3A_251 = vector.broadcast %add3A_250 : f32 to vector<16xf32>
      %add3A_252 = arith.addf %add3A_251, %exp3A_249 : vector<16xf32>
      %div3A_253 = arith.constant 1.000000e+00 : f32
      %div3A_254 = vector.broadcast %div3A_253 : f32 to vector<16xf32>
      %div3A_255 = arith.divf %div3A_254, %add3A_252 : vector<16xf32>
      %swap3A_256 = arith.constant 48 : index
      %swap3A_257 = tpu.vector_load %arg11[%swap3A_256] {strides = array<i32>} : memref<64xf32, #tpu.memory_space<vmem>>, vector<16xf32>,
      tpu.vector_store %arg11[%swap3A_256], %div3A_255 {strides = array<i32>} : memref<64xf32, #tpu.memory_space<vmem>>, vector<16xf32>,
      "tpu.region"() ({
        %run_scoped3A = tpu.sem_alloc : memref<!tpu.dma_semaphore, #tpu.memory_space<semaphore_mem>>
        %dma_start3A = arith.constant 0 : i32
        %dma_start3A_258 = tpu.memref_slice %arg5[%arg0, %dma_start3A] : memref<1x64xf32, #tpu.memory_space<hbm>> -> memref<1x64xf32, #tpu.memory_space<hbm>>
        %dma_start3A_259 = tpu.memref_squeeze %dma_start3A_258 : memref<1x64xf32, #tpu.memory_space<hbm>> -> memref<64xf32, #tpu.memory_space<hbm>>
        %dma_start3A_260 = arith.constant 0 : i32
        %dma_start3A_261 = tpu.memref_slice %arg5[%arg0, %dma_start3A_260] : memref<1x64xf32, #tpu.memory_space<hbm>> -> memref<1x64xf32, #tpu.memory_space<hbm>>
        %dma_start3A_262 = tpu.memref_squeeze %dma_start3A_261 : memref<1x64xf32, #tpu.memory_space<hbm>> -> memref<64xf32, #tpu.memory_space<hbm>>
        tpu.enqueue_dma source(%arg11 : memref<64xf32, #tpu.memory_space<vmem>>) target(%dma_start3A_262 : memref<64xf32, #tpu.memory_space<hbm>>) target_semaphore(%run_scoped3A : memref<!tpu.dma_semaphore, #tpu.memory_space<semaphore_mem>>)
        %dma_wait3A = arith.constant 0 : i32
        %dma_wait3A_263 = tpu.memref_slice %arg5[%arg0, %dma_wait3A] : memref<1x64xf32, #tpu.memory_space<hbm>> -> memref<1x64xf32, #tpu.memory_space<hbm>>
        %dma_wait3A_264 = tpu.memref_squeeze %dma_wait3A_263 : memref<1x64xf32, #tpu.memory_space<hbm>> -> memref<64xf32, #tpu.memory_space<hbm>>
        %dma_wait3A_265 = arith.constant 0 : i32
        %dma_wait3A_266 = tpu.memref_slice %arg5[%arg0, %dma_wait3A_265] : memref<1x64xf32, #tpu.memory_space<hbm>> -> memref<1x64xf32, #tpu.memory_space<hbm>>
        %dma_wait3A_267 = tpu.memref_squeeze %dma_wait3A_266 : memref<1x64xf32, #tpu.memory_space<hbm>> -> memref<64xf32, #tpu.memory_space<hbm>>
        tpu.wait_dma2 semaphore(%run_scoped3A : memref<!tpu.dma_semaphore, #tpu.memory_space<semaphore_mem>>) src(%arg11 : memref<64xf32, #tpu.memory_space<vmem>>) dst(%dma_wait3A_267 : memref<64xf32, #tpu.memory_space<hbm>>)
        tpu.yield
      }) : () -> ()
    } else {
    }
    return
  }
}

module attributes {stable_mosaic.version = 14 : i64} {
  func.func @_mv_body(%arg0: i32, %arg1: memref<1x128xf32, #tpu.memory_space<vmem>>, %arg2: memref<11264x128xf32, #tpu.memory_space<vmem>>, %arg3: memref<88x128xf32, #tpu.memory_space<vmem>>) attributes {dimension_semantics = [#tpu.dimension_semantics<arbitrary>], iteration_bounds = array<i64: 9>, scalar_prefetch = 0 : i64, scratch_operands = 0 : i64, tpu.core_type = #tpu.core_type<tc>, window_params = [{pipeline_mode = #tpu.pipeline_mode<synchronous>, transform_indices = @transform_0, window_bounds = array<i64: 1, 128>}, {transform_indices = @transform_1, window_bounds = array<i64: 11264, 128>}, {transform_indices = @transform_2, window_bounds = array<i64: 88, 128>}]} {
    %get3A = arith.constant 0 : index
    %get3A_0 = arith.constant 0 : index
    %get3A_1 = vector.load %arg2[%get3A, %get3A_0] : memref<11264x128xf32, #tpu.memory_space<vmem>>, vector<11264x128xf32>
    %get3A_2 = arith.constant 0 : index
    %get3A_3 = arith.constant 0 : index
    %get3A_4 = vector.load %arg1[%get3A_2, %get3A_3] : memref<1x128xf32, #tpu.memory_space<vmem>>, vector<1x128xf32>
    %squeeze3A = vector.shape_cast %get3A_4 : vector<1x128xf32> to vector<128xf32>
    %reshape3A = vector.shape_cast %get3A_1 : vector<11264x128xf32> to vector<88x128x128xf32>
    %broadcast_in_dim3A = vector.shape_cast %squeeze3A : vector<128xf32> to vector<1x1x128xf32>
    %mul3A = vector.broadcast %broadcast_in_dim3A : vector<1x1x128xf32> to vector<88x128x128xf32>
    %mul3A_5 = arith.mulf %reshape3A, %mul3A : vector<88x128x128xf32>
    %reduce_sum3A = arith.constant dense<0.000000e+00> : vector<88x128xf32>
    %reduce_sum3A_6 = vector.multi_reduction <add>, %mul3A_5, %reduce_sum3A [2] : vector<88x128x128xf32> to vector<88x128xf32>
    %swap3A = arith.constant 0 : index
    %swap3A_7 = arith.constant 0 : index
    %swap3A_8 = vector.load %arg3[%swap3A, %swap3A_7] : memref<88x128xf32, #tpu.memory_space<vmem>>, vector<88x128xf32>
    tpu.vector_store %arg3[%swap3A, %swap3A_7], %reduce_sum3A_6 {strides = array<i32>} : memref<88x128xf32, #tpu.memory_space<vmem>>, vector<88x128xf32>,
    return
  }
  func.func @transform_0(%arg0: i32) -> (i32, i32) {
    %c0_i32 = arith.constant 0 : i32
    %c0_i32_0 = arith.constant 0 : i32
    %c0_i32_1 = arith.constant 0 : i32
    return %c0_i32, %c0_i32_0 : i32, i32
  }
  func.func @transform_1(%arg0: i32) -> (i32, i32) {
    %c0_i32 = arith.constant 0 : i32
    %c0_i32_0 = arith.constant 0 : i32
    return %arg0, %c0_i32 : i32, i32
  }
  func.func @transform_2(%arg0: i32) -> (i32, i32) {
    %c0_i32 = arith.constant 0 : i32
    %c0_i32_0 = arith.constant 0 : i32
    return %arg0, %c0_i32 : i32, i32
  }
}

</mosaic_0001>

<sc_bundles>
// kernel: kernel.4.cloned.1.call-start
scs
__scs_entry_jumppad:
0x0: {  	(pc) =	sbr.rel $0x88, $3  }
0x1: {  	(tag) =	ssettag $0x0;
	lr =	simm.s32 $0x1  }
0x2: {  	[smem:$0x3F9D] =	sst lr;
	_ =	strace $0xD0000000  }
0x3: {  	_ = 	snop  }
0x4: {  	_ = 	snop  }
0x5: {  	_ = 	snop  }
0x6: {  	_ = 	snop  }
0x7: {  	_ = 	snop  }
__scs_overlays_trampoline_lowered:
0x8: {  	[smem:$0x3FAC] =	sst s0  }
0x9: {  	[smem:$0x3FAD] =	sst s1  }
0xa: {  	[smem:$0x3FAE] =	sst s2  }
0xb: {  	[smem:$0x3FAF] =	sst s3  }
0xc: {  	[smem:$0x3FB0] =	sst s4  }
0xd: {  	[smem:$0x3FB1] =	sst s5  }
0xe: {  	[smem:$0x3FB2] =	sst s6  }
0xf: {  	[smem:$0x3FB3] =	sst s7  }
0x10: {  	[smem:$0x3FB4] =	sst s8  }
0x11: {  	[smem:$0x3FB5] =	sst s9;
	s0 =	simm.s32 @!p0 $0x0  }
0x12: {  	s1 =	sld [smem:$0x3F9B];
	s0 =	simm.s32 @p0 $0x1  }
0x13: {  	[smem:$0x3FB6] =	sst s0;
	s0 =	simm.s32 @!p1 $0x0  }
0x14: {  	s2 =	sld [smem:$0x3F9A];
	s0 =	simm.s32 @p1 $0x1  }
0x15: {  	[smem:$0x3FB7] =	sst s0;
	s0 =	simm.s32 @!p2 $0x0  }
0x16: {  	s3 =	sld [smem:$0x3FDB];
	s0 =	simm.s32 @p2 $0x1  }
0x17: {  	s4 =	simm.s32 $0x1BF5;
	[smem:$0x3FB9] =	sst s0  }
0x18: {  	s0 =	sld [smem:$0x3F9C];
	_ =	swait.ge [sflag:s4], $0x0  }
0x19: {  	s7 =	sld [smem:$0x3F9D]  }
0x1a: {  	s8 =	sadd.s32 $0xFFFFE003, lr  }
0x1b: {  	s9 =	sadd.s32 $0xFFFFFEF7, lr;
	s5 =	simm.s32 $0xFFFFFFFF;
	p2 =	slt.u32 s8, $0xFFFFF086  }
0x1c: {  	p1 =	slt.u32 s9, $0xF7A;
	s5 =	simm.s32 @!p2 $0x0  }
0x1d: {  	s5 =	simm.s32 @p1 $0x1;
	p0 =	seq.s32 s7, s2  }
0x1e: {  	s7 =	smul.u32 @!p0 $0xF7A, s2;
	p2 =	seq.s32 @!p0 s5, $0x0  }
0x1f: {  	s9 =	smul.u32 $0xF7A, s1;
	s8 =	simm.s32 @!p0 $0x1BF5;
	p2 =	por !p2, p0  }
0x20: {  	[sflag:s8] =	ssyncset.s32 @!p0 $0xFFFFF086;
	s6 =	sadd.s32 @!p0 s3, s7;
	s7 =	simm.s32 @!p0 $0x108  }
0x21: {  	s3 =	sadd.s32 s3, s9;
	s6 =	sadd.s32 @!p0 $0x88, s6;
	s7 =	simm.s32 @p2 $0x1082  }
0x22: {  	[simem:s7], [sflag:s8] =	dma.local @!p0 [hbm:s6], $0xF7A  }
0x23: {  	s9 =	sor.u32 $0xD0000000, s2;
	s6 =	simm.s32 $0x108;
	_ =	swait.ge @!p0 [sflag:s8], $0x0  }
0x24: {  	s3 =	sadd.s32 $0x88, s3;
	s6 =	simm.s32 @!p1 $0x1082;
	[sflag:s4] =	ssyncset.s32 $0xFFFFF086  }
0x25: {  	[simem:s6], [sflag:s4] =	dma.local [hbm:s3], $0xF7A  }
0x26: {  	[smem:$0x3F9D] =	sst s1;
	(tag) =	ssettag s2;
	_ =	strace s9  }
0x27: {  	s1 =	sld [smem:$0x3FAD]  }
0x28: {  	s2 =	sld [smem:$0x3FAE]  }
0x29: {  	s4 =	sld [smem:$0x3FB0]  }
0x2a: {  	p0 =	seq.s32 s5, $0x0;
	s5 =	sld [smem:$0x3FB1]  }
0x2b: {  	s6 =	sld [smem:$0x3FB2]  }
0x2c: {  	s7 =	sld [smem:$0x3FB3]  }
0x2d: {  	s3 =	simm.s32 $0x108;
	s8 =	sld [smem:$0x3FB4]  }
0x2e: {  	s3 =	simm.s32 @!p0 $0x1082;
	s9 =	sld [smem:$0x3FB5]  }
0x2f: {  	lr =	sadd.s32 s0, s3;
	s0 =	sld [smem:$0x3FAC]  }
0x30: {  	s3 =	sld [smem:$0x3FAF]  }
0x31: {  	[smem:$0x3FB8] =	sst s10  }
0x32: {  	s10 =	sld [smem:$0x3FB6];
	_ =	sdelay $0x3  }
0x33: {  	p0 =	seq.s32 s10, $0x1;
	s10 =	sld [smem:$0x3FB8];
	_ =	sdelay $0x3  }
0x34: {  	[smem:$0x3FB8] =	sst s10  }
0x35: {  	s10 =	sld [smem:$0x3FB7];
	_ =	sdelay $0x3  }
0x36: {  	p1 =	seq.s32 s10, $0x1;
	s10 =	sld [smem:$0x3FB8];
	_ =	sdelay $0x3  }
0x37: {  	[smem:$0x3FB8] =	sst s10  }
0x38: {  	s10 =	sld [smem:$0x3FB9]  }
0x39: {  	_ = 	snop;
	(pc) =	sbr.ind lr, $3  }
0x3a: {  	_ = 	snop  }
0x3b: {  	_ = 	snop  }
0x3c: {  	p2 =	seq.s32 s10, $0x1;
	s10 =	sld [smem:$0x3FB8]  }
0x3d: {  	_ =	shalt  }
0x3e: {  	_ =	shalt  }
0x3f: {  	_ =	shalt  }
0x40: {  	_ =	shalt  }
0x41: {  	_ =	shalt  }
0x42: {  	_ =	shalt  }
0x43: {  	_ =	shalt  }
0x44: {  	_ =	shalt  }
0x45: {  	_ =	shalt  }
0x46: {  	_ =	shalt  }
0x47: {  	_ =	shalt  }
0x48: {  	_ =	shalt  }
0x49: {  	_ =	shalt  }
0x4a: {  	_ =	shalt  }
0x4b: {  	_ =	shalt  }
0x4c: {  	_ =	shalt  }
0x4d: {  	_ =	shalt  }
0x4e: {  	_ =	shalt  }
0x4f: {  	_ =	shalt  }
0x50: {  	_ =	shalt  }
0x51: {  	_ =	shalt  }
0x52: {  	_ =	shalt  }
0x53: {  	_ =	shalt  }
0x54: {  	_ =	shalt  }
0x55: {  	_ =	shalt  }
0x56: {  	_ =	shalt  }
0x57: {  	_ =	shalt  }
0x58: {  	_ =	shalt  }
0x59: {  	_ =	shalt  }
0x5a: {  	_ =	shalt  }
0x5b: {  	_ =	shalt  }
0x5c: {  	_ =	shalt  }
0x5d: {  	_ =	shalt  }
0x5e: {  	_ =	shalt  }
0x5f: {  	_ =	shalt  }
0x60: {  	_ =	shalt  }
0x61: {  	_ =	shalt  }
0x62: {  	_ =	shalt  }
0x63: {  	_ =	shalt  }
0x64: {  	_ =	shalt  }
0x65: {  	_ =	shalt  }
0x66: {  	_ =	shalt  }
0x67: {  	_ =	shalt  }
0x68: {  	_ =	shalt  }
0x69: {  	_ =	shalt  }
0x6a: {  	_ =	shalt  }
0x6b: {  	_ =	shalt  }
0x6c: {  	_ =	shalt  }
0x6d: {  	_ =	shalt  }
0x6e: {  	_ =	shalt  }
0x6f: {  	_ =	shalt  }
0x70: {  	_ =	shalt  }
0x71: {  	_ =	shalt  }
0x72: {  	_ =	shalt  }
0x73: {  	_ =	shalt  }
0x74: {  	_ =	shalt  }
0x75: {  	_ =	shalt  }
0x76: {  	_ =	shalt  }
0x77: {  	_ =	shalt  }
0x78: {  	_ =	shalt  }
0x79: {  	_ =	shalt  }
0x7a: {  	_ =	shalt  }
0x7b: {  	_ =	shalt  }
0x7c: {  	_ =	shalt  }
0x7d: {  	_ =	shalt  }
0x7e: {  	_ =	shalt  }
0x7f: {  	_ =	shalt  }
0x80: {  	_ =	shalt  }
0x81: {  	_ =	shalt  }
0x82: {  	_ =	shalt  }
0x83: {  	_ =	shalt  }
0x84: {  	_ =	shalt  }
0x85: {  	_ =	shalt  }
0x86: {  	_ =	shalt  }
0x87: {  	_ =	shalt  }
.Lfunc_end0:
.L_simem_size_0:
called_computation_lowered:
.L_overlay_start_0:
0x88: {  	s0 =	sld [smem:$0x3FD9]  }
0x89: {  	s1 =	sld [smem:$0x3FFE];
	_ =	sdelay $0x3  }
0x8a: {  	s0 =	sadd.s32 s1, s0  }
0x8b: {  	[smem:$0x3FC4] =	sst s0  }
0x8c: {  	_ = 	snop  }
0x8d: {  	(tm) =	ssettm $0x1  }
0x8e: {  	s15 =	sld [smem:$0x3FFB];
	_ =	sdelay $0x3  }
0x8f: {  	_ =	strace s15  }
0x90: {  	s0 =	sld [smem:$0x3FFC];
	_ =	sdelay $0x3  }
0x91: {  	_ =	strace s0  }
0x92: {  	s0 =	sld [smem:$0x3FFD];
	_ =	sdelay $0x3  }
0x93: {  	_ =	strace s0  }
0x94: {  	_ =	strace $0x8FFFFFFF  }
0x95: {  	s16 =	sld [smem:$0x3FDB];
	_ =	sdelay $0x1  }
0x96: {  	s17 =	simm.s32 $_scs_section_size  }
0x97: {  	s2 =	simm.s32 $_size__tile_overlayer_lowered;
	s3 =	simm.s32 $_tile_overlayer_lowered  }
0x98: {  	s20 =	simm.s32 $0x1BFF;
	s19 =	sshll.u32 s3, $0x1;
	s0 =	sadd.s32 s17, s16  }
0x99: {  	s4 =	simm.s32 $0x0;
	s18 =	sshll.u32 s2, $0x1;
	s2 =	sadd.s32 s19, s0  }
0x9a: {  	[timem:s4], [sflag:s20] =	dma.local [hbm:s2], s18  }
0x9b: {  	_ =	swait.ge [sflag:s20], s18  }
0x9c: {  	s1 =	ssub.s32 $0x0, s18;
	[sflag:s20] =	ssyncset.done $0x0  }
0x9d: {  	[sflag:s20] =	ssyncadd.s32 s1;
	_ =	sdelay $0x1  }
0x9e: {  	s21 =	simm.s32 $0x1B8B  }
0x9f: {  	_ =	swait.ge [sflag:s21], $0x1  }
0xa0: {  	[sflag:s21] =	ssyncset.done $0x0  }
0xa1: {  	s23 =	simm.s32 $0x1B8E;
	s22 =	sld [smem:$0x3FFE];
	[sflag:s21] =	ssyncadd.s32 $0xFFFFFFFF  }
0xa2: {  	s24 =	simm.s32 $execute0_lowered;
	[smem:$0x3FD2] =	sst s23  }
0xa3: {  	s2 =	sshll.u32 s24, $0x1;
	_ =	strace $0x80000046;
	[dreg:$0x1] =	wrdreg $0xFFFFFFFF  }
0xa4: {  	s25 =	simm.s32 $_size_execute0_lowered;
	s0 =	sadd.s32 s0, s2;
	[dreg:$0x0] =	wrdreg $0x0  }
0xa5: {  	s2 =	sshll.u32 s25, $0x1;
	[dreg:$0x2] =	wrdreg s0  }
0xa6: {  	[dreg:$0x3] =	wrdreg s2  }
0xa7: {  	[dreg:$0x4] =	wrdreg $0xC0  }
0xa8: {  	_ =	task [dreg:s4], $0x5FFFF  }
0xa9: {  	[dreg:$0x1] =	wrdreg $0xFFFFFFFF  }
0xaa: {  	[dreg:$0x0] =	wrdreg $0x60  }
0xab: {  	[dreg:$0x2] =	wrdreg s22  }
0xac: {  	[dreg:$0x3] =	wrdreg $0x1CC800  }
0xad: {  	[dreg:$0x4] =	wrdreg $0x9  }
0xae: {  	_ =	task.clear_ibuf [dreg:s4], $0x5FFFF;
	_ =	strace $0x90000046  }
0xaf: {  	s26 =	simm.s32 $0x9;
	_ =	strace $0x80000048  }
0xb0: {  	_ =	swait.ge [sflag:s26], $0x1  }
0xb1: {  	[sflag:s26] =	ssyncadd.s32 $0xFFFFFFFF  }
0xb2: {  	_ =	strace $0x90000048  }
0xb3: {  	_ =	sfence  }
0xb4: {  	s28 =	sld [smem:$0x0];
	_ =	sdelay $0x1  }
0xb5: {  	s29 =	srdreg.scid  }
0xb6: {  	s30 =	sshll.u32 s29, $0xD;
	s31 =	sshrl.u32 s29, $0x2  }
0xb7: {  	s1 =	sand.u32 $0x1, s29;
	s2 =	sand.u32 $0x4000, s30;
	s0 =	sadd.s32 s31, s28  }
0xb8: {  	s1 =	sor.u32 s2, s1;
	s0 =	sshll.u32 s0, $0x11  }
0xb9: {  	s0 =	sor.u32 s0, s1  }
0xba: {  	s0 =	sadd.s32 $0x8F2B, s0  }
0xbb: {  	[sflag:s0] =	ssyncadd.remote.s32 $0x1  }
0xbc: {  	_ =	sfence.sel $0xFFFF  }
0xbd: {  	[dreg:$0x0] =	wrdreg $0xFFFFFFFF;
	(pc) =	sbr.abs _section_cstart, $3  }
0xbe: {  	[dreg:$0x1] =	wrdreg $0xFFFFFFFF  }
0xbf: {  	_ =	task.clear_ibuf [dreg:s4], $0x2FFFF;
	_ =	strace $0x9FFFFFFF  }
0xc0: {  	(tm) =	ssettm $0x7FFFFFFF  }
0xc1: {  	_ =	shalt  }
tec
execute0_lowered:
.L_overlay_start_1:
0x0: {  	(tag) =	ssettag $0x1  }
0x1: {  	s1 =	rddreg [dreg:$0x0]  }
0x2: {  	s3 =	stileid.u32;
	s2 =	rddreg [dreg:$0x1]  }
0x3: {  	s0 =	rddreg [dreg:$0x2];
	s4 =	sshll.u32 s3, $0x4  }
0x4: {  	s26 =	simm.s32 $0x80;
	s6 =	sshll.u32 s3, $0xB;
	s5 =	sand.u32 $0x70, s4  }
0x5: {  	s4 =	simm.s32 $0x0;
	s6 =	sand.u32 $0x4000, s6;
	s5 =	sadd.s32 s5, s1  }
0x6: {  	s7 =	simm.s32 $0x400;
	[smem:$0x7FF] =	sst s4;
	s5 =	sadd.s32 s6, s5  }
0x7: {  	s8 =	simm.s32 $0x18C00;
	_ =	strace $0x80000047;
	s5 =	sadd.s32 $0x800, s5  }
0x8: {  	[tilespmem:s8], [sflag:$0x1] =	stream.strided.gather [hbm4b:s5+s26], $0x4000, s7, s26, $0x38;
	[tilespmem:$0x1D1C0] =	vst v63  }
0x9: {  	s29 =	simm.s32 $0x1;
	s28 =	sadd.s32 $0x8800, s1  }
0xa: {  	[tilespmem:s4], [sflag:$0x2] =	stream.linear.gather [hbm4b:s28+s4], $0x18C00, $0x38;
	[tilespmem:$0x1D1C0] =	vst v63  }
0xb: {  	_ =	swait.ge [sflag:s29], $0x4000  }
0xc: {  	[sflag:s29] =	ssyncset.done $0x0  }
0xd: {  	s30 =	simm.s32 $0x2;
	[sflag:s29] =	ssyncadd.s32 $0xFFFFC000  }
0xe: {  	_ =	swait.ge [sflag:s30], $0x18C00  }
0xf: {  	[sflag:s30] =	ssyncset.done $0x0  }
0x10: {  	s31 =	simm.s32 $0x18D00;
	[sflag:s30] =	ssyncadd.s32 $0xFFFE7400  }
0x11: {  	v0 =	vld [tilespmem:s31+$0xC0]  }
0x12: {  	v1 =	vld [tilespmem:s31+$0xD0]  }
0x13: {  	v4 =	vld [tilespmem:s31+$0xE0]  }
0x14: {  	v5 =	vld [tilespmem:s31+$0xF0]  }
0x15: {  	v2 =	vld [tilespmem:s31+$0x80]  }
0x16: {  	v3 =	vld [tilespmem:s31+$0x90]  }
0x17: {  	v9 =	vld [tilespmem:s31+$0xA0]  }
0x18: {  	v11 =	vld [tilespmem:s31+$0xB0]  }
0x19: {  	v6 =	vld [tilespmem:s31+$0x40]  }
0x1a: {  	v7 =	vld [tilespmem:s31+$0x50]  }
0x1b: {  	v8 =	vld [tilespmem:s31+$0x60]  }
0x1c: {  	v10 =	vld [tilespmem:s31+$0x70]  }
0x1d: {  	v12 =	vld [tilespmem:s31+$0x0]  }
0x1e: {  	v13 =	vld [tilespmem:s31+$0x10]  }
0x1f: {  	v14 =	vld [tilespmem:s31+$0x20]  }
0x20: {  	v15 =	vld [tilespmem:s31+$0x30]  }
0x21: {  	v16 =	vld [tilespmem:s31+$0xFFFFFFC0]  }
0x22: {  	v17 =	vld [tilespmem:s31+$0xFFFFFFD0]  }
0x23: {  	v18 =	vld [tilespmem:s31+$0xFFFFFFE0]  }
0x24: {  	v19 =	vld [tilespmem:s31+$0xFFFFFFF0]  }
0x25: {  	v20 =	vld [tilespmem:s31+$0xFFFFFF80]  }
0x26: {  	v21 =	vld [tilespmem:s31+$0xFFFFFF90]  }
0x27: {  	v22 =	vld [tilespmem:s31+$0xFFFFFFA0]  }
0x28: {  	v23 =	vld [tilespmem:s31+$0xFFFFFFB0]  }
0x29: {  	v24 =	vld [tilespmem:s31+$0xFFFFFF40]  }
0x2a: {  	v25 =	vld [tilespmem:s31+$0xFFFFFF50]  }
0x2b: {  	v26 =	vld [tilespmem:s31+$0xFFFFFF60]  }
0x2c: {  	v27 =	vld [tilespmem:s31+$0xFFFFFF70]  }
0x2d: {  	v28 =	vld [tilespmem:s31+$0xFFFFFF00]  }
0x2e: {  	v29 =	vld [tilespmem:s31+$0xFFFFFF10]  }
0x2f: {  	v30 =	vld [tilespmem:s31+$0xFFFFFF20]  }
0x30: {  	v31 =	vld [tilespmem:s31+$0xFFFFFF30]  }
0x31: {  	v0 =	vld.idx.msk [tilespmem:v0+s4+$0x0], $0xffff  }
0x32: {  	v1 =	vld.idx.msk [tilespmem:v1+s4+$0x0], $0xffff  }
0x33: {  	v2 =	vld.idx.msk [tilespmem:v2+s4+$0x0], $0xffff  }
0x34: {  	v3 =	vld.idx.msk [tilespmem:v3+s4+$0x0], $0xffff  }
0x35: {  	v6 =	vld.idx.msk [tilespmem:v6+s4+$0x0], $0xffff  }
0x36: {  	v7 =	vld.idx.msk [tilespmem:v7+s4+$0x0], $0xffff  }
0x37: {  	v32 =	vld.idx.msk [tilespmem:v12+s4+$0x0], $0xffff  }
0x38: {  	v13 =	vld.idx.msk [tilespmem:v13+s4+$0x0], $0xffff  }
0x39: {  	v12 =	vld.idx.msk [tilespmem:v16+s4+$0x0], $0xffff  }
0x3a: {  	v16 =	vld.idx.msk [tilespmem:v17+s4+$0x0], $0xffff  }
0x3b: {  	v17 =	vld.idx.msk [tilespmem:v20+s4+$0x0], $0xffff  }
0x3c: {  	v52 =	vld.idx.msk [tilespmem:v21+s4+$0x0], $0xffff  }
0x3d: {  	v53 =	vld.idx.msk [tilespmem:v24+s4+$0x0], $0xffff  }
0x3e: {  	v54 =	vld.idx.msk [tilespmem:v25+s4+$0x0], $0xffff  }
0x3f: {  	v55 =	vld.idx.msk [tilespmem:v28+s4+$0x0], $0xffff  }
0x40: {  	v56 =	vld.idx.msk [tilespmem:v29+s4+$0x0], $0xffff  }
0x41: {  	v57 =	vld.idx.msk [tilespmem:v30+s4+$0x0], $0xffff  }
0x42: {  	v58 =	vld.idx.msk [tilespmem:v31+s4+$0x0], $0xffff  }
0x43: {  	v26 =	vld.idx.msk [tilespmem:v26+s4+$0x0], $0xffff  }
0x44: {  	v27 =	vld.idx.msk [tilespmem:v27+s4+$0x0], $0xffff  }
0x45: {  	v22 =	vld.idx.msk [tilespmem:v22+s4+$0x0], $0xffff  }
0x46: {  	v59 =	vimm.f32 $0.0e+00;
	v23 =	vld.idx.msk [tilespmem:v23+s4+$0x0], $0xffff  }
0x47: {  	v18 =	vld.idx.msk [tilespmem:v18+s4+$0x0], $0xffff;
	v25 =	vadd.f32 v55, v59;
	v28 =	vadd.f32 v56, v59  }
0x48: {  	v19 =	vld.idx.msk [tilespmem:v19+s4+$0x0], $0xffff;
	v29 =	vadd.f32 v57, v59;
	v30 =	vadd.f32 v58, v59  }
0x49: {  	v60 =	vld.idx.msk [tilespmem:v14+s4+$0x0], $0xffff;
	v21 =	vadd.f32 v53, v25;
	v24 =	vadd.f32 v54, v28  }
0x4a: {  	v62 =	vld.idx.msk [tilespmem:v15+s4+$0x0], $0xffff;
	v14 =	vadd.f32 v26, v29;
	v61 =	vadd.f32 v27, v30  }
0x4b: {  	v8 =	vld.idx.msk [tilespmem:v8+s4+$0x0], $0xffff;
	v15 =	vadd.f32 v17, v21;
	v17 =	vadd.f32 v52, v24  }
0x4c: {  	v10 =	vld.idx.msk [tilespmem:v10+s4+$0x0], $0xffff;
	v14 =	vadd.f32 v22, v14;
	v63 =	vadd.f32 v23, v61  }
0x4d: {  	v9 =	vld.idx.msk [tilespmem:v9+s4+$0x0], $0xffff;
	v15 =	vadd.f32 v12, v15;
	v16 =	vadd.f32 v16, v17  }
0x4e: {  	v17 =	vadd.f32 v18, v14;
	v18 =	vadd.f32 v19, v63;
	v12 =	vld.idx.msk [tilespmem:v11+s4+$0x0], $0xffff  }
0x4f: {  	s6 =	simm.s32 $0x0;
	v11 =	vld.idx.msk [tilespmem:v4+s4+$0x0], $0xffff;
	v14 =	vadd.f32 v32, v15;
	v15 =	vadd.f32 v13, v16  }
0x50: {  	s5 =	sadd.s32 $0xBA00, s1;
	s1 =	sadd.s32 $0xBC00, s1;
	s7 =	simm.s32 $0x18F00;
	v16 =	vadd.f32 v60, v17;
	v4 =	vadd.f32 v62, v18;
	v13 =	vld.idx.msk [tilespmem:v5+s4+$0x0], $0xffff  }
.LBB2_1:
0x51: {  	v17 =	vld [tilespmem:s7+$0xC0];
	v5 =	vadd.f32 v6, v14;
	v6 =	vadd.f32 v7, v15  }
0x52: {  	v7 =	vld [tilespmem:s7+$0xD0];
	v8 =	vadd.f32 v8, v16;
	v10 =	vadd.f32 v10, v4  }
0x53: {  	v4 =	vld [tilespmem:s7+$0xE0];
	v2 =	vadd.f32 v2, v5;
	v3 =	vadd.f32 v3, v6  }
0x54: {  	v5 =	vld [tilespmem:s7+$0xF0];
	v6 =	vadd.f32 v9, v8;
	v8 =	vadd.f32 v12, v10  }
0x55: {  	v9 =	vld [tilespmem:s7+$0x80];
	v10 =	vadd.f32 v0, v2;
	v12 =	vadd.f32 v1, v3  }
0x56: {  	v3 =	vld [tilespmem:s7+$0x90];
	v11 =	vadd.f32 v11, v6;
	v8 =	vadd.f32 v13, v8  }
0x57: {  	v13 =	vld [tilespmem:s7+$0xA0]  }
0x58: {  	v14 =	vld [tilespmem:s7+$0xB0]  }
0x59: {  	v6 =	vld [tilespmem:s7+$0x40]  }
0x5a: {  	v15 =	vld [tilespmem:s7+$0x50]  }
0x5b: {  	v16 =	vld [tilespmem:s7+$0x60]  }
0x5c: {  	v18 =	vld [tilespmem:s7+$0x70]  }
0x5d: {  	v19 =	vld [tilespmem:s7+$0x0]  }
0x5e: {  	v20 =	vld [tilespmem:s7+$0x10]  }
0x5f: {  	v21 =	vld [tilespmem:s7+$0x20]  }
0x60: {  	v22 =	vld [tilespmem:s7+$0x30]  }
0x61: {  	v23 =	vld [tilespmem:s7+$0xFFFFFFC0]  }
0x62: {  	v24 =	vld [tilespmem:s7+$0xFFFFFFD0]  }
0x63: {  	v25 =	vld [tilespmem:s7+$0xFFFFFFE0]  }
0x64: {  	v26 =	vld [tilespmem:s7+$0xFFFFFFF0]  }
0x65: {  	v27 =	vld [tilespmem:s7+$0xFFFFFF80]  }
0x66: {  	v28 =	vld [tilespmem:s7+$0xFFFFFF90]  }
0x67: {  	v29 =	vld [tilespmem:s7+$0xFFFFFFA0]  }
0x68: {  	v30 =	vld [tilespmem:s7+$0xFFFFFFB0]  }
0x69: {  	v31 =	vld [tilespmem:s7+$0xFFFFFF40]  }
0x6a: {  	v32 =	vld [tilespmem:s7+$0xFFFFFF50]  }
0x6b: {  	v33 =	vld [tilespmem:s7+$0xFFFFFF60]  }
0x6c: {  	v34 =	vld [tilespmem:s7+$0xFFFFFF70]  }
0x6d: {  	v35 =	vld [tilespmem:s7+$0xFFFFFF00]  }
0x6e: {  	v36 =	vld [tilespmem:s7+$0xFFFFFF10]  }
0x6f: {  	v37 =	vld [tilespmem:s7+$0xFFFFFF20]  }
0x70: {  	v38 =	vld [tilespmem:s7+$0xFFFFFF30]  }
0x71: {  	v0 =	vld.idx.msk [tilespmem:v17+s4+$0x0], $0xffff  }
0x72: {  	v1 =	vld.idx.msk [tilespmem:v7+s4+$0x0], $0xffff  }
0x73: {  	v2 =	vld.idx.msk [tilespmem:v9+s4+$0x0], $0xffff  }
0x74: {  	v3 =	vld.idx.msk [tilespmem:v3+s4+$0x0], $0xffff  }
0x75: {  	v6 =	vld.idx.msk [tilespmem:v6+s4+$0x0], $0xffff  }
0x76: {  	v7 =	vld.idx.msk [tilespmem:v15+s4+$0x0], $0xffff  }
0x77: {  	v15 =	vld.idx.msk [tilespmem:v19+s4+$0x0], $0xffff  }
0x78: {  	v17 =	vld.idx.msk [tilespmem:v20+s4+$0x0], $0xffff  }
0x79: {  	v9 =	vld.idx.msk [tilespmem:v23+s4+$0x0], $0xffff  }
0x7a: {  	s6 =	sadd.s32 $0x8, s6;
	v19 =	vld.idx.msk [tilespmem:v24+s4+$0x0], $0xffff  }
0x7b: {  	p0 =	slt.u32 s6, $0xF8;
	v20 =	vld.idx.msk [tilespmem:v27+s4+$0x0], $0xffff  }
0x7c: {  	v23 =	vld.idx.msk [tilespmem:v28+s4+$0x0], $0xffff  }
0x7d: {  	v24 =	vld.idx.msk [tilespmem:v31+s4+$0x0], $0xffff  }
0x7e: {  	v27 =	vld.idx.msk [tilespmem:v32+s4+$0x0], $0xffff  }
0x7f: {  	v28 =	vld.idx.msk [tilespmem:v35+s4+$0x0], $0xffff  }
0x80: {  	v31 =	vld.idx.msk [tilespmem:v36+s4+$0x0], $0xffff  }
0x81: {  	v32 =	vld.idx.msk [tilespmem:v37+s4+$0x0], $0xffff  }
0x82: {  	v35 =	vld.idx.msk [tilespmem:v38+s4+$0x0], $0xffff  }
0x83: {  	v33 =	vld.idx.msk [tilespmem:v33+s4+$0x0], $0xffff  }
0x84: {  	v34 =	vld.idx.msk [tilespmem:v34+s4+$0x0], $0xffff  }
0x85: {  	v29 =	vld.idx.msk [tilespmem:v29+s4+$0x0], $0xffff  }
0x86: {  	v30 =	vld.idx.msk [tilespmem:v30+s4+$0x0], $0xffff  }
0x87: {  	v10 =	vadd.f32 v28, v10;
	v12 =	vadd.f32 v31, v12;
	v25 =	vld.idx.msk [tilespmem:v25+s4+$0x0], $0xffff  }
0x88: {  	v11 =	vadd.f32 v32, v11;
	v8 =	vadd.f32 v35, v8;
	v26 =	vld.idx.msk [tilespmem:v26+s4+$0x0], $0xffff  }
0x89: {  	v10 =	vadd.f32 v24, v10;
	v12 =	vadd.f32 v27, v12;
	v21 =	vld.idx.msk [tilespmem:v21+s4+$0x0], $0xffff  }
0x8a: {  	v11 =	vadd.f32 v33, v11;
	v24 =	vadd.f32 v34, v8;
	v22 =	vld.idx.msk [tilespmem:v22+s4+$0x0], $0xffff  }
0x8b: {  	v20 =	vadd.f32 v20, v10;
	v12 =	vadd.f32 v23, v12;
	v8 =	vld.idx.msk [tilespmem:v16+s4+$0x0], $0xffff  }
.Ltmp0:
0x8c: {  	v11 =	vadd.f32 v29, v11;
	v16 =	vadd.f32 v30, v24;
	v10 =	vld.idx.msk [tilespmem:v18+s4+$0x0], $0xffff;
	(pc) =	sbr.rel @p0 .LBB2_1-.Ltmp0, $4  }
0x8d: {  	v19 =	vadd.f32 v19, v12;
	v18 =	vadd.f32 v9, v20;
	v9 =	vld.idx.msk [tilespmem:v13+s4+$0x0], $0xffff  }
0x8e: {  	v13 =	vadd.f32 v25, v11;
	v20 =	vadd.f32 v26, v16;
	v12 =	vld.idx.msk [tilespmem:v14+s4+$0x0], $0xffff  }
0x8f: {  	v14 =	vadd.f32 v15, v18;
	v15 =	vadd.f32 v17, v19;
	v11 =	vld.idx.msk [tilespmem:v4+s4+$0x0], $0xffff  }
0x90: {  	s7 =	sadd.s32 $0x200, s7;
	v16 =	vadd.f32 v21, v13;
	v4 =	vadd.f32 v22, v20;
	v13 =	vld.idx.msk [tilespmem:v5+s4+$0x0], $0xffff  }
0x91: {  	v5 =	vadd.f32 v6, v14  }
0x92: {  	v58 =	vadd.f32 v7, v15  }
0x93: {  	v59 =	vadd.f32 v8, v16;
	v2 =	vadd.f32 v2, v5  }
0x94: {  	v4 =	vadd.f32 v10, v4;
	v3 =	vadd.f32 v3, v58  }
0x95: {  	v60 =	vadd.f32 v9, v59;
	v0 =	vadd.f32 v0, v2  }
0x96: {  	v61 =	vadd.f32 v12, v4;
	v1 =	vadd.f32 v1, v3  }
0x97: {  	v62 =	vadd.f32 v11, v60;
	[tilespmem:$0x1CC00] =	vst v0  }
0x98: {  	v63 =	vadd.f32 v13, v61;
	[tilespmem:$0x1CC10] =	vst v1  }
0x99: {  	s4 =	sshll.u32 s3, $0x6;
	[tilespmem:$0x1CC20] =	vst v62  }
0x9a: {  	s6 =	simm.s32 $0x1CC00;
	s4 =	sadd.s32 s4, s2;
	[tilespmem:$0x1CC30] =	vst v63  }
0x9b: {  	[spmem:s4] =	stream.linear.scatter [tilespmem:s6], [sflag:$0x3], $0x40, $0x38;
	[tilespmem:$0x1D1C0] =	vst v63  }
0x9c: {  	s4 =	simm.s32 $0x3  }
0x9d: {  	_ =	swait.ge [sflag:s4], $0x40  }
0x9e: {  	[sflag:s4] =	ssyncset.done $0x0  }
0x9f: {  	[sflag:s4] =	ssyncadd.s32 $0xFFFFFFC0  }
0xa0: {  	p0 =	sne.s32 s3, $0x0;
	[bflag:$0x0] =	sbarrier.arrive $0xFFFF  }
0xa1: {  	_ =	sfence.sel @p0 $0x180000  }
0xa2: {  	[bflag:$0x0] =	sbarrier.arrive @p0 $0xFFFF  }
0xa3: {  	_ =	strace @p0 $0x90000047  }
0xa4: {  	[bflag:$0x2] =	sbarrier.arrive @p0 $0xFFFF  }
0xa5: {  	_ =	shalt @p0  }
.LBB2_3:
0xa6: {  	s3 =	simm.s32 $0x1CCC0  }
0xa7: {  	[tilespmem:s3], [sflag:$0x3] =	stream.linear.gather [spmem:s2], $0x400, $0x38;
	[tilespmem:$0x1D1C0] =	vst v63  }
0xa8: {  	_ =	swait.ge [sflag:s4], $0x400  }
0xa9: {  	[sflag:s4] =	ssyncset.done $0x0  }
0xaa: {  	s29 =	simm.s32 $0x0;
	s30 =	simm.s32 $0x1D140;
	[sflag:s4] =	ssyncadd.s32 $0xFFFFFC00  }
0xab: {  	[tilespmem:s30], [sflag:$0x3] =	stream.linear.gather [hbm4b:s5+s29], $0x80, $0x38;
	[tilespmem:$0x1D1C0] =	vst v63  }
0xac: {  	_ =	swait.ge [sflag:s4], $0x80  }
0xad: {  	[sflag:s4] =	ssyncset.done $0x0  }
0xae: {  	[sflag:s4] =	ssyncadd.s32 $0xFFFFFF80  }
0xaf: {  	v0 =	vld [tilespmem:$0x1CCC0]  }
0xb0: {  	v1 =	vld [tilespmem:$0x1CCD0]  }
0xb1: {  	v2 =	vld [tilespmem:$0x1CCE0]  }
0xb2: {  	v3 =	vld [tilespmem:$0x1CD00]  }
0xb3: {  	v4 =	vld [tilespmem:$0x1CCF0]  }
0xb4: {  	v5 =	vld [tilespmem:$0x1CD40]  }
0xb5: {  	v6 =	vld [tilespmem:$0x1CD10];
	v0 =	vadd.f32 $0.0e+00, v0  }
0xb6: {  	v7 =	vld [tilespmem:$0x1CD80]  }
0xb7: {  	v53 =	vld [tilespmem:$0x1CD20];
	v0 =	vadd.f32 v3, v0  }
0xb8: {  	v8 =	vld [tilespmem:$0x1CDC0]  }
0xb9: {  	v9 =	vld [tilespmem:$0x1CD30];
	v0 =	vadd.f32 v5, v0  }
0xba: {  	v54 =	vld [tilespmem:$0x1CE00]  }
0xbb: {  	v10 =	vld [tilespmem:$0x1CD50];
	v0 =	vadd.f32 v7, v0  }
0xbc: {  	v55 =	vld [tilespmem:$0x1CE40]  }
0xbd: {  	v11 =	vld [tilespmem:$0x1CD60];
	v0 =	vadd.f32 v8, v0  }
0xbe: {  	v56 =	vld [tilespmem:$0x1CE80]  }
0xbf: {  	v12 =	vld [tilespmem:$0x1CD70];
	v0 =	vadd.f32 v54, v0  }
0xc0: {  	v57 =	vld [tilespmem:$0x1CEC0]  }
0xc1: {  	v13 =	vld [tilespmem:$0x1CD90];
	v0 =	vadd.f32 v55, v0  }
0xc2: {  	v58 =	vld [tilespmem:$0x1CF00];
	v1 =	vadd.f32 $0.0e+00, v1  }
0xc3: {  	v59 =	vld [tilespmem:$0x1CDA0];
	v0 =	vadd.f32 v56, v0  }
0xc4: {  	v60 =	vld [tilespmem:$0x1CF40];
	v1 =	vadd.f32 v6, v1  }
0xc5: {  	v61 =	vld [tilespmem:$0x1CDD0];
	v0 =	vadd.f32 v57, v0  }
0xc6: {  	v62 =	vld [tilespmem:$0x1CF80];
	v1 =	vadd.f32 v10, v1  }
0xc7: {  	v63 =	vld [tilespmem:$0x1CE10];
	v0 =	vadd.f32 v58, v0  }
0xc8: {  	v16 =	vld [tilespmem:$0x1CFC0];
	v1 =	vadd.f32 v13, v1  }
0xc9: {  	v17 =	vld [tilespmem:$0x1CE50];
	v0 =	vadd.f32 v60, v0  }
0xca: {  	v18 =	vld [tilespmem:$0x1D000];
	v1 =	vadd.f32 v61, v1  }
0xcb: {  	v19 =	vld [tilespmem:$0x1CE90];
	v0 =	vadd.f32 v62, v0  }
0xcc: {  	v20 =	vld [tilespmem:$0x1D040];
	v1 =	vadd.f32 v63, v1  }
0xcd: {  	v21 =	vld [tilespmem:$0x1CED0];
	v0 =	vadd.f32 v16, v0  }
0xce: {  	v22 =	vld [tilespmem:$0x1D080];
	v1 =	vadd.f32 v17, v1  }
0xcf: {  	v23 =	vld [tilespmem:$0x1CF10];
	v2 =	vadd.f32 $0.0e+00, v2;
	v0 =	vadd.f32 v18, v0  }
0xd0: {  	v24 =	vld [tilespmem:$0x1CDE0];
	v1 =	vadd.f32 v19, v1  }
0xd1: {  	v25 =	vld [tilespmem:$0x1CF50];
	v2 =	vadd.f32 v53, v2;
	v0 =	vadd.f32 v20, v0  }
0xd2: {  	v26 =	vld [tilespmem:$0x1D140];
	v1 =	vadd.f32 v21, v1  }
0xd3: {  	v27 =	vld [tilespmem:$0x1CF90];
	v2 =	vadd.f32 v11, v2;
	v0 =	vadd.f32 v22, v0  }
0xd4: {  	v28 =	vld [tilespmem:$0x1CE20];
	v1 =	vadd.f32 v23, v1  }
0xd5: {  	v29 =	vld [tilespmem:$0x1CFD0];
	v2 =	vadd.f32 v59, v2;
	v0 =	vmul.f32 $2.441406250e-04, v0  }
0xd6: {  	v30 =	vld [tilespmem:$0x1CE60];
	v1 =	vadd.f32 v25, v1  }
0xd7: {  	v31 =	vld [tilespmem:$0x1D010];
	v2 =	vadd.f32 v24, v2;
	v0 =	vadd.f32 v26, v0  }
0xd8: {  	v32 =	vld [tilespmem:$0x1CEA0];
	v1 =	vadd.f32 v27, v1  }
0xd9: {  	v33 =	vld [tilespmem:$0x1D050];
	v2 =	vadd.f32 v28, v2;
	v0 =	vsub.f32 $0.0e+00, v0  }
0xda: {  	v34 =	vld [tilespmem:$0x1CEE0];
	v1 =	vadd.f32 v29, v1  }
0xdb: {  	v35 =	vld [tilespmem:$0x1D090];
	v2 =	vadd.f32 v30, v2;
	v0 =	vmul.f32 $1.442695020e+00, v0  }
0xdc: {  	v36 =	vld [tilespmem:$0x1CF20];
	v4 =	vadd.f32 $0.0e+00, v4;
	v1 =	vadd.f32 v31, v1  }
0xdd: {  	v37 =	vld [tilespmem:$0x1CDB0];
	v2 =	vadd.f32 v32, v2;
	(erf) = vpow2.f32 v0  }
0xde: {  	v38 =	vld [tilespmem:$0x1CF60];
	v4 =	vadd.f32 v9, v4;
	v1 =	vadd.f32 v33, v1  }
0xdf: {  	v39 =	vld [tilespmem:$0x1CDF0];
	v2 =	vadd.f32 v34, v2  }
0xe0: {  	v40 =	vld [tilespmem:$0x1CFA0];
	v4 =	vadd.f32 v12, v4;
	v1 =	vadd.f32 v35, v1  }
0xe1: {  	v41 =	vld [tilespmem:$0x1CE30];
	v2 =	vadd.f32 v36, v2  }
0xe2: {  	v42 =	vld [tilespmem:$0x1CFE0];
	v1 =	vmul.f32 $2.441406250e-04, v1;
	v0 =	vadd.f32 v37, v4  }
0xe3: {  	v43 =	vld [tilespmem:$0x1CE70];
	v2 =	vadd.f32 v38, v2  }
0xe4: {  	v44 =	vld [tilespmem:$0x1D020];
	v1 =	vadd.f32 v26, v1;
	v0 =	vadd.f32 v39, v0  }
0xe5: {  	v45 =	vld [tilespmem:$0x1CEB0];
	v2 =	vadd.f32 v40, v2  }
0xe6: {  	v46 =	vld [tilespmem:$0x1D060];
	v1 =	vsub.f32 $0.0e+00, v1;
	v0 =	vadd.f32 v41, v0;
	v47 =	vpop (erf)  }
0xe7: {  	v48 =	vld [tilespmem:$0x1CEF0];
	v2 =	vadd.f32 v42, v2;
	v8 =	vadd.f32 $1.000000000e+00, v47  }
0xe8: {  	v49 =	vld [tilespmem:$0x1D0A0];
	v1 =	vmul.f32 $1.442695020e+00, v1;
	v0 =	vadd.f32 v43, v0  }
0xe9: {  	v50 =	vld [tilespmem:$0x1CF30];
	v2 =	vadd.f32 v44, v2;
	(erf) = vrcp.f32 v8  }
0xea: {  	v0 =	vadd.f32 v45, v0;
	(erf) = vpow2.f32 v1  }
0xeb: {  	v51 =	vld [tilespmem:$0x1CF70];
	v2 =	vadd.f32 v46, v2  }
0xec: {  	v0 =	vadd.f32 v48, v0  }
0xed: {  	v52 =	vld [tilespmem:$0x1CFB0];
	v2 =	vadd.f32 v49, v2  }
0xee: {  	v0 =	vadd.f32 v50, v0  }
0xef: {  	v53 =	vld [tilespmem:$0x1CFF0];
	v2 =	vmul.f32 $2.441406250e-04, v2  }
0xf0: {  	v0 =	vadd.f32 v51, v0  }
0xf1: {  	v54 =	vld [tilespmem:$0x1D030];
	v2 =	vadd.f32 v26, v2  }
0xf2: {  	v0 =	vadd.f32 v52, v0;
	v55 =	vpop (erf)  }
0xf3: {  	v56 =	vld [tilespmem:$0x1D070];
	v2 =	vsub.f32 $0.0e+00, v2;
	v57 =	vpop (erf)  }
0xf4: {  	v0 =	vadd.f32 v53, v0;
	v58 =	vadd.f32 $1.000000000e+00, v57  }
0xf5: {  	v59 =	vld [tilespmem:$0x1D0B0];
	v2 =	vmul.f32 $1.442695020e+00, v2  }
0xf6: {  	v0 =	vadd.f32 v54, v0;
	(erf) = vrcp.f32 v58  }
0xf7: {  	(erf) = vpow2.f32 v2  }
0xf8: {  	v0 =	vadd.f32 v56, v0;
	_ =	sdelay $0x1  }
0xf9: {  	v0 =	vadd.f32 v59, v0;
	_ =	sdelay $0x1  }
0xfa: {  	v0 =	vmul.f32 $2.441406250e-04, v0;
	_ =	sdelay $0x1  }
0xfb: {  	v0 =	vadd.f32 v0, v26  }
0xfc: {  	v60 =	vpop (erf)  }
0xfd: {  	v0 =	vsub.f32 $0.0e+00, v0;
	v2 =	vpop (erf)  }
0xfe: {  	v2 =	vadd.f32 $1.000000000e+00, v2  }
0xff: {  	v0 =	vmul.f32 $1.442695020e+00, v0  }
0x100: {  	(erf) = vrcp.f32 v2  }
0x101: {  	(erf) = vpow2.f32 v0;
	_ =	sdelay $0x7  }
0x102: {  	v61 =	vpop (erf)  }
0x103: {  	v62 =	vpop (erf)  }
0x104: {  	v2 =	vadd.f32 $1.000000000e+00, v62;
	_ =	sdelay $0x1  }
0x105: {  	(erf) = vrcp.f32 v2;
	_ =	sdelay $0x6  }
0x106: {  	[tilespmem:$0x1D0C0] =	vst v55  }
0x107: {  	[tilespmem:$0x1D0D0] =	vst v60  }
0x108: {  	[tilespmem:$0x1D0E0] =	vst v61;
	v63 =	vpop (erf)  }
0x109: {  	s31 =	simm.s32 $0x1D0C0;
	[tilespmem:$0x1D0F0] =	vst v63  }
0x10a: {  	[hbm4b:s1+s29] =	stream.linear.scatter [tilespmem:s31], [sflag:$0x3], $0x80, $0x38;
	[tilespmem:$0x1D1C0] =	vst v63  }
0x10b: {  	_ =	swait.ge [sflag:s4], $0x80  }
0x10c: {  	[sflag:s4] =	ssyncset.done $0x0  }
0x10d: {  	[sflag:s4] =	ssyncadd.s32 $0xFFFFFF80  }
0x10e: {  	_ =	sfence.sel $0x180000  }
0x10f: {  	[bflag:$0x0] =	sbarrier.arrive $0xFFFF  }
0x110: {  	_ =	strace $0x90000047  }
0x111: {  	s0 =	sadd.s32 $0x100000, s0;
	[bflag:$0x2] =	sbarrier.arrive $0xFFFF  }
0x112: {  	[sflag:s0] =	ssyncadd.tile.s32 $0x1;
	_ =	shalt  }
.Lfunc_end2:
_tile_overlayer_lowered:
.L_overlay_start_2:
0x113: {  	(tag) =	ssettag $0x2  }
0x114: {  	s0 =	rddreg [dreg:$0x0];
	s2 =	stileid.u32  }
0x115: {  	s1 =	rddreg [dreg:$0x1];
	p0 =	sne.s32 s2, $0x0  }
0x116: {  	s3 =	rddreg [dreg:$0x2];
	[bflag:$0x3] =	sbarrier.arrive $0xFFFF;
	s2 =	simm.s32 @!p0 $0x1C03  }
0x117: {  	[timem:s3], [sflag:s2] =	dma.local @!p0 [hbm:s0], s1  }
0x118: {  	s0 =	simm.s32 @!p0 $0x3  }
0x119: {  	_ =	swait.ge @!p0 [sflag:s0], s1  }
0x11a: {  	s1 =	ssub.s32 @!p0 $0x0, s1;
	[sflag:s0] =	ssyncset.done @!p0 $0x0  }
0x11b: {  	[sflag:s0] =	ssyncadd.s32 @!p0 s1  }
0x11c: {  	[bflag:$0x3] =	sbarrier.arrive $0xFFFF  }
0x11d: {  	_ =	shalt  }

</sc_bundles>
